<compile_context>
chip_gen: v7x
topology: tpu7x:2x2x1
jax: 0.10.2.dev20260603
libtpu: 0.0.44.dev20260713+nightly
codegen_flags: <defaults>
</compile_context>

<pallas_src>
import functools

import jax
import jax.numpy as jnp
from jax import lax
from jax.experimental import pallas as pl
from jax.experimental.pallas import tpu as pltpu
from jax.experimental.pallas import tpu_sc as plsc

_NUM_USERS = 1000000
_NUM_ITEMS = 1000
_DIM = 32
_BATCH = 16384

_NBAND = 128 // _DIM
_RB = 16384
_RBH = _RB // 2
_UB = _RB * _NBAND
_GRID_R = -(-_NUM_USERS // _UB)
_NLINES = _GRID_R * _RBH

_NC = 2
_NS = 16
_NW = _NC * _NS
_BPW = _BATCH // _NW
_CHUNK = 128
_NCHUNK = _BPW // _CHUNK
_L = 16

_BM = 2048


def _relayout_body(x_ref, out_ref):
    x = x_ref[...]
    z = jnp.concatenate(
        [x[:, s * _RB:(s + 1) * _RB] for s in range(_NBAND)], axis=0
    )
    zi = lax.bitcast_convert_type(z, jnp.int32)
    r = zi + jnp.int32(0x7FFF) + ((zi >> jnp.int32(16)) & jnp.int32(1))
    lo = r[:, :_RBH]
    hi = r[:, _RBH:]
    packed = ((lo >> jnp.int32(16)) & jnp.int32(0xFFFF)) | (
        hi & jnp.int32(-65536)
    )
    out_ref[...] = packed.T


@functools.cache
def _build_relayout():
    return pl.pallas_call(
        _relayout_body,
        grid=(_GRID_R,),
        in_specs=[pl.BlockSpec((_DIM, _UB), lambda i: (0, i))],
        out_specs=pl.BlockSpec((_RBH, 128), lambda i: (i, 0)),
        out_shape=jax.ShapeDtypeStruct((_NLINES, 128), jnp.int32),
    )


@functools.cache
def _build_sc_gather():
    mesh = plsc.VectorSubcoreMesh(
        core_axis_name="c", subcore_axis_name="s",
        num_cores=_NC, num_subcores=_NS,
    )

    @functools.partial(
        pl.kernel,
        mesh=mesh,
        out_type=jax.ShapeDtypeStruct((_BATCH, 128), jnp.int32),
        scratch_types=[
            pltpu.VMEM((_BPW,), jnp.int32),
            pltpu.VMEM((_BPW,), jnp.int32),
            pltpu.VMEM((_BPW, 128), jnp.int32),
            pltpu.SemaphoreType.DMA,
        ],
    )
    def sc_gather(table_hbm, idx_hbm, out_hbm, idx_v, line_v, rows_v, sem):
        wid = lax.axis_index("s") * _NC + lax.axis_index("c")
        base = wid * _BPW
        pltpu.sync_copy(idx_hbm.at[pl.ds(base, _BPW)], idx_v)
        for j in range(_BPW // _L):
            u = idx_v[pl.ds(j * _L, _L)]
            line_v[pl.ds(j * _L, _L)] = (
                ((u >> jnp.int32(16)) << jnp.int32(13))
                + (u & jnp.int32(_RBH - 1))
            )
        copies = []
        for j in range(_NCHUNK):
            copies.append(
                pltpu.async_copy(
                    table_hbm.at[line_v.at[pl.ds(j * _CHUNK, _CHUNK)]],
                    rows_v.at[pl.ds(j * _CHUNK, _CHUNK)],
                    sem,
                )
            )
        for c in copies:
            c.wait()
        pltpu.sync_copy(rows_v, out_hbm.at[pl.ds(base, _BPW)])

    return sc_gather


def _logits_body(g_ref, idx_ref, alpha_t_ref, out_ref):
    gi = g_ref[...]
    lo = lax.bitcast_convert_type(
        gi << jnp.int32(16), jnp.float32
    )
    hi = lax.bitcast_convert_type(
        gi & jnp.int32(-65536), jnp.float32
    )
    selr = idx_ref[...].reshape(1, _BM)
    sel = lax.transpose(selr, (1, 0))
    band = (sel >> jnp.int32(14)) & jnp.int32(_NBAND - 1)
    odd = ((sel >> jnp.int32(13)) & jnp.int32(1)) == 1
    theta = jnp.zeros((gi.shape[0], _DIM), jnp.float32)
    for s in range(_NBAND):
        piece = jnp.where(
            odd, hi[:, s * _DIM:(s + 1) * _DIM],
            lo[:, s * _DIM:(s + 1) * _DIM],
        )
        theta = theta + jnp.where(band == s, piece, 0.0)
    alpha_t = alpha_t_ref[...]
    ut = lax.dot_general(
        alpha_t, theta, (((0,), (1,)), ((), ())),
        preferred_element_type=jnp.float32,
    )
    e = jnp.exp(ut)
    ssum = jnp.sum(e, axis=0, keepdims=True)
    out_ref[...] = ut - jnp.log(ssum)


@functools.cache
def _build_logits():
    return pl.pallas_call(
        _logits_body,
        grid=(_BATCH // _BM,),
        in_specs=[
            pl.BlockSpec((_BM, 128), lambda i: (i, 0)),
            pl.BlockSpec((1, 1, _BM), lambda i: (i, 0, 0)),
            pl.BlockSpec((_DIM, _NUM_ITEMS), lambda i: (0, 0)),
        ],
        out_specs=pl.BlockSpec((_NUM_ITEMS, _BM), lambda i: (0, i)),
        out_shape=jax.ShapeDtypeStruct((_NUM_ITEMS, _BATCH), jnp.float32),
    )


def kernel(user_index, theta_user, alpha_item):
    tt = theta_user.T
    table = _build_relayout()(tt)
    lines = _build_sc_gather()(table, user_index)
    idx2d = user_index.reshape(_BATCH // _BM, 1, _BM)
    out_t = _build_logits()(lines, idx2d, alpha_item.T)
    return out_t.T

# --- scband reference (transcript-rebuilt; emitter-appended) ---
"""Pipeline reference for scband-bemb-33157147525536 (READ-ONLY COPY).

The authoritative reference and input builder live on the scoring server;
editing this copy changes nothing except your own understanding.
"""

import jax, jax.numpy as jnp
import numpy as np

NUM_USERS = 1000000
NUM_ITEMS = 1000
LATENT_DIM = 32
BATCH = 16384


def setup_inputs(seed: int = 0) -> dict:
    key = jax.random.key(seed)
    k1, k2, k3 = jax.random.split(key, 3)
    user_index = jax.random.randint(k1, (BATCH,), 0, NUM_USERS, dtype=jnp.int64 if jax.config.jax_enable_x64 else jnp.int32).astype(jnp.int32)
    # Variational mean parameters of the Bayesian embeddings (theta_user, alpha_item).
    theta_user = jax.random.normal(k2, (NUM_USERS, LATENT_DIM), dtype=jnp.float32) * 0.1
    alpha_item = jax.random.normal(k3, (NUM_ITEMS, LATENT_DIM), dtype=jnp.float32) * 0.1
    return {"user_index": user_index, "theta_user": theta_user, "alpha_item": alpha_item}


def reference(user_index, theta_user, alpha_item):
    # BEMB forward (posterior-mean / single MC sample at variational mean):
    # utility[b, i] = <theta_user[u_b], alpha_item[i]>, then within-'all' log-likelihood
    # via log_softmax over the item axis.
    theta = jnp.take(theta_user, user_index, axis=0)              # (B, dim)  embedding gather
    utility = theta @ alpha_item.T                                # (B, num_items)
    log_p = jax.nn.log_softmax(utility, axis=-1)                  # (B, num_items)
    return log_p

if __name__ == "__main__":
    import jax
    _d = setup_inputs()
    print(jax.jit(kernel)(*tuple(_d.values())))

</pallas_src>

<mosaic_0001>
#map = affine_map<(d0, d1) -> (0, 0)>
#map1 = affine_map<(d0, d1) -> (0)>
module attributes {stable_mosaic.version = 14 : i64} {
  func.func @sc_gather(%arg0: i32, %arg1: i32, %arg2: memref<131072x128xi32, #tpu.memory_space<hbm>>, %arg3: memref<16384xi32, #tpu.memory_space<hbm>>, %arg4: memref<16384x128xi32, #tpu.memory_space<hbm>>, %arg5: memref<512xi32, #tpu.memory_space<vmem>>, %arg6: memref<512xi32, #tpu.memory_space<vmem>>, %arg7: memref<512x128xi32, #tpu.memory_space<vmem>>, %arg8: memref<!tpu.dma_semaphore, #tpu.memory_space<semaphore_mem>>) attributes {dimension_semantics = [#tpu.dimension_semantics<core_parallel>, #tpu.dimension_semantics<subcore_parallel>], iteration_bounds = array<i64: 2, 16>, scalar_prefetch = 0 : i64, scratch_operands = 4 : i64, tpu.core_type = #tpu.core_type<sc_vector_subcore>, window_params = [{transform_indices = #map}, {transform_indices = #map1}, {transform_indices = #map}]} {
    %mul3A = arith.constant 2 : i32
    %mul3A_0 = arith.muli %arg1, %mul3A : i32
    %add3A = arith.addi %mul3A_0, %arg0 : i32
    %mul3A_1 = arith.constant 512 : i32
    %mul3A_2 = arith.muli %add3A, %mul3A_1 : i32
    "tpu.region"() ({
      %run_scoped3A = tpu.sem_alloc : memref<!tpu.dma_semaphore, #tpu.memory_space<semaphore_mem>>
      %dma_start3A_604 = tpu.memref_slice %arg3[%mul3A_2] : memref<16384xi32, #tpu.memory_space<hbm>> -> memref<512xi32, #tpu.memory_space<hbm>>
      %dma_start3A_605 = tpu.memref_slice %arg3[%mul3A_2] : memref<16384xi32, #tpu.memory_space<hbm>> -> memref<512xi32, #tpu.memory_space<hbm>>
      tpu.enqueue_dma source(%dma_start3A_605 : memref<512xi32, #tpu.memory_space<hbm>>) target(%arg5 : memref<512xi32, #tpu.memory_space<vmem>>) target_semaphore(%run_scoped3A : memref<!tpu.dma_semaphore, #tpu.memory_space<semaphore_mem>>)
      %dma_wait3A_606 = tpu.memref_slice %arg3[%mul3A_2] : memref<16384xi32, #tpu.memory_space<hbm>> -> memref<512xi32, #tpu.memory_space<hbm>>
      %dma_wait3A_607 = tpu.memref_slice %arg3[%mul3A_2] : memref<16384xi32, #tpu.memory_space<hbm>> -> memref<512xi32, #tpu.memory_space<hbm>>
      tpu.wait_dma2 semaphore(%run_scoped3A : memref<!tpu.dma_semaphore, #tpu.memory_space<semaphore_mem>>) src(%dma_wait3A_607 : memref<512xi32, #tpu.memory_space<hbm>>) dst(%arg5 : memref<512xi32, #tpu.memory_space<vmem>>)
      tpu.yield
    }) : () -> ()
    %get3A = arith.constant 0 : index
    %get3A_3 = tpu.vector_load %arg5[%get3A] {strides = array<i32>} : memref<512xi32, #tpu.memory_space<vmem>>, vector<16xi32>,
    %get3A_4 = vector.shape_cast %get3A_3 : vector<16xi32> to vector<16xi32>
    %shift_right_arithmetic3A = arith.constant 16 : i32
    %shift_right_arithmetic3A_5 = vector.broadcast %shift_right_arithmetic3A : i32 to vector<16xi32>
    %shift_right_arithmetic3A_6 = arith.shrsi %get3A_4, %shift_right_arithmetic3A_5 : vector<16xi32>
    %shift_left3A = arith.constant 13 : i32
    %shift_left3A_7 = vector.broadcast %shift_left3A : i32 to vector<16xi32>
    %shift_left3A_8 = arith.shli %shift_right_arithmetic3A_6, %shift_left3A_7 : vector<16xi32>
    %and3A = arith.constant 8191 : i32
    %and3A_9 = vector.broadcast %and3A : i32 to vector<16xi32>
    %and3A_10 = arith.andi %get3A_4, %and3A_9 : vector<16xi32>
    %add3A_11 = arith.addi %shift_left3A_8, %and3A_10 : vector<16xi32>
    %swap3A = arith.constant 0 : index
    %swap3A_12 = tpu.vector_load %arg6[%swap3A] {strides = array<i32>} : memref<512xi32, #tpu.memory_space<vmem>>, vector<16xi32>,
    %swap3A_13 = vector.shape_cast %swap3A_12 : vector<16xi32> to vector<16xi32>
    %swap3A_14 = vector.shape_cast %add3A_11 : vector<16xi32> to vector<16xi32>
    tpu.vector_store %arg6[%swap3A], %swap3A_14 {strides = array<i32>} : memref<512xi32, #tpu.memory_space<vmem>>, vector<16xi32>,
    %get3A_15 = arith.constant 16 : index
    %get3A_16 = tpu.vector_load %arg5[%get3A_15] {strides = array<i32>} : memref<512xi32, #tpu.memory_space<vmem>>, vector<16xi32>,
    %get3A_17 = vector.shape_cast %get3A_16 : vector<16xi32> to vector<16xi32>
    %shift_right_arithmetic3A_18 = arith.constant 16 : i32
    %shift_right_arithmetic3A_19 = vector.broadcast %shift_right_arithmetic3A_18 : i32 to vector<16xi32>
    %shift_right_arithmetic3A_20 = arith.shrsi %get3A_17, %shift_right_arithmetic3A_19 : vector<16xi32>
    %shift_left3A_21 = arith.constant 13 : i32
    %shift_left3A_22 = vector.broadcast %shift_left3A_21 : i32 to vector<16xi32>
    %shift_left3A_23 = arith.shli %shift_right_arithmetic3A_20, %shift_left3A_22 : vector<16xi32>
    %and3A_24 = arith.constant 8191 : i32
    %and3A_25 = vector.broadcast %and3A_24 : i32 to vector<16xi32>
    %and3A_26 = arith.andi %get3A_17, %and3A_25 : vector<16xi32>
    %add3A_27 = arith.addi %shift_left3A_23, %and3A_26 : vector<16xi32>
    %swap3A_28 = arith.constant 16 : index
    %swap3A_29 = tpu.vector_load %arg6[%swap3A_28] {strides = array<i32>} : memref<512xi32, #tpu.memory_space<vmem>>, vector<16xi32>,
    %swap3A_30 = vector.shape_cast %swap3A_29 : vector<16xi32> to vector<16xi32>
    %swap3A_31 = vector.shape_cast %add3A_27 : vector<16xi32> to vector<16xi32>
    tpu.vector_store %arg6[%swap3A_28], %swap3A_31 {strides = array<i32>} : memref<512xi32, #tpu.memory_space<vmem>>, vector<16xi32>,
    %get3A_32 = arith.constant 32 : index
    %get3A_33 = tpu.vector_load %arg5[%get3A_32] {strides = array<i32>} : memref<512xi32, #tpu.memory_space<vmem>>, vector<16xi32>,
    %get3A_34 = vector.shape_cast %get3A_33 : vector<16xi32> to vector<16xi32>
    %shift_right_arithmetic3A_35 = arith.constant 16 : i32
    %shift_right_arithmetic3A_36 = vector.broadcast %shift_right_arithmetic3A_35 : i32 to vector<16xi32>
    %shift_right_arithmetic3A_37 = arith.shrsi %get3A_34, %shift_right_arithmetic3A_36 : vector<16xi32>
    %shift_left3A_38 = arith.constant 13 : i32
    %shift_left3A_39 = vector.broadcast %shift_left3A_38 : i32 to vector<16xi32>
    %shift_left3A_40 = arith.shli %shift_right_arithmetic3A_37, %shift_left3A_39 : vector<16xi32>
    %and3A_41 = arith.constant 8191 : i32
    %and3A_42 = vector.broadcast %and3A_41 : i32 to vector<16xi32>
    %and3A_43 = arith.andi %get3A_34, %and3A_42 : vector<16xi32>
    %add3A_44 = arith.addi %shift_left3A_40, %and3A_43 : vector<16xi32>
    %swap3A_45 = arith.constant 32 : index
    %swap3A_46 = tpu.vector_load %arg6[%swap3A_45] {strides = array<i32>} : memref<512xi32, #tpu.memory_space<vmem>>, vector<16xi32>,
    %swap3A_47 = vector.shape_cast %swap3A_46 : vector<16xi32> to vector<16xi32>
    %swap3A_48 = vector.shape_cast %add3A_44 : vector<16xi32> to vector<16xi32>
    tpu.vector_store %arg6[%swap3A_45], %swap3A_48 {strides = array<i32>} : memref<512xi32, #tpu.memory_space<vmem>>, vector<16xi32>,
    %get3A_49 = arith.constant 48 : index
    %get3A_50 = tpu.vector_load %arg5[%get3A_49] {strides = array<i32>} : memref<512xi32, #tpu.memory_space<vmem>>, vector<16xi32>,
    %get3A_51 = vector.shape_cast %get3A_50 : vector<16xi32> to vector<16xi32>
    %shift_right_arithmetic3A_52 = arith.constant 16 : i32
    %shift_right_arithmetic3A_53 = vector.broadcast %shift_right_arithmetic3A_52 : i32 to vector<16xi32>
    %shift_right_arithmetic3A_54 = arith.shrsi %get3A_51, %shift_right_arithmetic3A_53 : vector<16xi32>
    %shift_left3A_55 = arith.constant 13 : i32
    %shift_left3A_56 = vector.broadcast %shift_left3A_55 : i32 to vector<16xi32>
    %shift_left3A_57 = arith.shli %shift_right_arithmetic3A_54, %shift_left3A_56 : vector<16xi32>
    %and3A_58 = arith.constant 8191 : i32
    %and3A_59 = vector.broadcast %and3A_58 : i32 to vector<16xi32>
    %and3A_60 = arith.andi %get3A_51, %and3A_59 : vector<16xi32>
    %add3A_61 = arith.addi %shift_left3A_57, %and3A_60 : vector<16xi32>
    %swap3A_62 = arith.constant 48 : index
    %swap3A_63 = tpu.vector_load %arg6[%swap3A_62] {strides = array<i32>} : memref<512xi32, #tpu.memory_space<vmem>>, vector<16xi32>,
    %swap3A_64 = vector.shape_cast %swap3A_63 : vector<16xi32> to vector<16xi32>
    %swap3A_65 = vector.shape_cast %add3A_61 : vector<16xi32> to vector<16xi32>
    tpu.vector_store %arg6[%swap3A_62], %swap3A_65 {strides = array<i32>} : memref<512xi32, #tpu.memory_space<vmem>>, vector<16xi32>,
    %get3A_66 = arith.constant 64 : index
    %get3A_67 = tpu.vector_load %arg5[%get3A_66] {strides = array<i32>} : memref<512xi32, #tpu.memory_space<vmem>>, vector<16xi32>,
    %get3A_68 = vector.shape_cast %get3A_67 : vector<16xi32> to vector<16xi32>
    %shift_right_arithmetic3A_69 = arith.constant 16 : i32
    %shift_right_arithmetic3A_70 = vector.broadcast %shift_right_arithmetic3A_69 : i32 to vector<16xi32>
    %shift_right_arithmetic3A_71 = arith.shrsi %get3A_68, %shift_right_arithmetic3A_70 : vector<16xi32>
    %shift_left3A_72 = arith.constant 13 : i32
    %shift_left3A_73 = vector.broadcast %shift_left3A_72 : i32 to vector<16xi32>
    %shift_left3A_74 = arith.shli %shift_right_arithmetic3A_71, %shift_left3A_73 : vector<16xi32>
    %and3A_75 = arith.constant 8191 : i32
    %and3A_76 = vector.broadcast %and3A_75 : i32 to vector<16xi32>
    %and3A_77 = arith.andi %get3A_68, %and3A_76 : vector<16xi32>
    %add3A_78 = arith.addi %shift_left3A_74, %and3A_77 : vector<16xi32>
    %swap3A_79 = arith.constant 64 : index
    %swap3A_80 = tpu.vector_load %arg6[%swap3A_79] {strides = array<i32>} : memref<512xi32, #tpu.memory_space<vmem>>, vector<16xi32>,
    %swap3A_81 = vector.shape_cast %swap3A_80 : vector<16xi32> to vector<16xi32>
    %swap3A_82 = vector.shape_cast %add3A_78 : vector<16xi32> to vector<16xi32>
    tpu.vector_store %arg6[%swap3A_79], %swap3A_82 {strides = array<i32>} : memref<512xi32, #tpu.memory_space<vmem>>, vector<16xi32>,
    %get3A_83 = arith.constant 80 : index
    %get3A_84 = tpu.vector_load %arg5[%get3A_83] {strides = array<i32>} : memref<512xi32, #tpu.memory_space<vmem>>, vector<16xi32>,
    %get3A_85 = vector.shape_cast %get3A_84 : vector<16xi32> to vector<16xi32>
    %shift_right_arithmetic3A_86 = arith.constant 16 : i32
    %shift_right_arithmetic3A_87 = vector.broadcast %shift_right_arithmetic3A_86 : i32 to vector<16xi32>
    %shift_right_arithmetic3A_88 = arith.shrsi %get3A_85, %shift_right_arithmetic3A_87 : vector<16xi32>
    %shift_left3A_89 = arith.constant 13 : i32
    %shift_left3A_90 = vector.broadcast %shift_left3A_89 : i32 to vector<16xi32>
    %shift_left3A_91 = arith.shli %shift_right_arithmetic3A_88, %shift_left3A_90 : vector<16xi32>
    %and3A_92 = arith.constant 8191 : i32
    %and3A_93 = vector.broadcast %and3A_92 : i32 to vector<16xi32>
    %and3A_94 = arith.andi %get3A_85, %and3A_93 : vector<16xi32>
    %add3A_95 = arith.addi %shift_left3A_91, %and3A_94 : vector<16xi32>
    %swap3A_96 = arith.constant 80 : index
    %swap3A_97 = tpu.vector_load %arg6[%swap3A_96] {strides = array<i32>} : memref<512xi32, #tpu.memory_space<vmem>>, vector<16xi32>,
    %swap3A_98 = vector.shape_cast %swap3A_97 : vector<16xi32> to vector<16xi32>
    %swap3A_99 = vector.shape_cast %add3A_95 : vector<16xi32> to vector<16xi32>
    tpu.vector_store %arg6[%swap3A_96], %swap3A_99 {strides = array<i32>} : memref<512xi32, #tpu.memory_space<vmem>>, vector<16xi32>,
    %get3A_100 = arith.constant 96 : index
    %get3A_101 = tpu.vector_load %arg5[%get3A_100] {strides = array<i32>} : memref<512xi32, #tpu.memory_space<vmem>>, vector<16xi32>,
    %get3A_102 = vector.shape_cast %get3A_101 : vector<16xi32> to vector<16xi32>
    %shift_right_arithmetic3A_103 = arith.constant 16 : i32
    %shift_right_arithmetic3A_104 = vector.broadcast %shift_right_arithmetic3A_103 : i32 to vector<16xi32>
    %shift_right_arithmetic3A_105 = arith.shrsi %get3A_102, %shift_right_arithmetic3A_104 : vector<16xi32>
    %shift_left3A_106 = arith.constant 13 : i32
    %shift_left3A_107 = vector.broadcast %shift_left3A_106 : i32 to vector<16xi32>
    %shift_left3A_108 = arith.shli %shift_right_arithmetic3A_105, %shift_left3A_107 : vector<16xi32>
    %and3A_109 = arith.constant 8191 : i32
    %and3A_110 = vector.broadcast %and3A_109 : i32 to vector<16xi32>
    %and3A_111 = arith.andi %get3A_102, %and3A_110 : vector<16xi32>
    %add3A_112 = arith.addi %shift_left3A_108, %and3A_111 : vector<16xi32>
    %swap3A_113 = arith.constant 96 : index
    %swap3A_114 = tpu.vector_load %arg6[%swap3A_113] {strides = array<i32>} : memref<512xi32, #tpu.memory_space<vmem>>, vector<16xi32>,
    %swap3A_115 = vector.shape_cast %swap3A_114 : vector<16xi32> to vector<16xi32>
    %swap3A_116 = vector.shape_cast %add3A_112 : vector<16xi32> to vector<16xi32>
    tpu.vector_store %arg6[%swap3A_113], %swap3A_116 {strides = array<i32>} : memref<512xi32, #tpu.memory_space<vmem>>, vector<16xi32>,
    %get3A_117 = arith.constant 112 : index
    %get3A_118 = tpu.vector_load %arg5[%get3A_117] {strides = array<i32>} : memref<512xi32, #tpu.memory_space<vmem>>, vector<16xi32>,
    %get3A_119 = vector.shape_cast %get3A_118 : vector<16xi32> to vector<16xi32>
    %shift_right_arithmetic3A_120 = arith.constant 16 : i32
    %shift_right_arithmetic3A_121 = vector.broadcast %shift_right_arithmetic3A_120 : i32 to vector<16xi32>
    %shift_right_arithmetic3A_122 = arith.shrsi %get3A_119, %shift_right_arithmetic3A_121 : vector<16xi32>
    %shift_left3A_123 = arith.constant 13 : i32
    %shift_left3A_124 = vector.broadcast %shift_left3A_123 : i32 to vector<16xi32>
    %shift_left3A_125 = arith.shli %shift_right_arithmetic3A_122, %shift_left3A_124 : vector<16xi32>
    %and3A_126 = arith.constant 8191 : i32
    %and3A_127 = vector.broadcast %and3A_126 : i32 to vector<16xi32>
    %and3A_128 = arith.andi %get3A_119, %and3A_127 : vector<16xi32>
    %add3A_129 = arith.addi %shift_left3A_125, %and3A_128 : vector<16xi32>
    %swap3A_130 = arith.constant 112 : index
    %swap3A_131 = tpu.vector_load %arg6[%swap3A_130] {strides = array<i32>} : memref<512xi32, #tpu.memory_space<vmem>>, vector<16xi32>,
    %swap3A_132 = vector.shape_cast %swap3A_131 : vector<16xi32> to vector<16xi32>
    %swap3A_133 = vector.shape_cast %add3A_129 : vector<16xi32> to vector<16xi32>
    tpu.vector_store %arg6[%swap3A_130], %swap3A_133 {strides = array<i32>} : memref<512xi32, #tpu.memory_space<vmem>>, vector<16xi32>,
    %get3A_134 = arith.constant 128 : index
    %get3A_135 = tpu.vector_load %arg5[%get3A_134] {strides = array<i32>} : memref<512xi32, #tpu.memory_space<vmem>>, vector<16xi32>,
    %get3A_136 = vector.shape_cast %get3A_135 : vector<16xi32> to vector<16xi32>
    %shift_right_arithmetic3A_137 = arith.constant 16 : i32
    %shift_right_arithmetic3A_138 = vector.broadcast %shift_right_arithmetic3A_137 : i32 to vector<16xi32>
    %shift_right_arithmetic3A_139 = arith.shrsi %get3A_136, %shift_right_arithmetic3A_138 : vector<16xi32>
    %shift_left3A_140 = arith.constant 13 : i32
    %shift_left3A_141 = vector.broadcast %shift_left3A_140 : i32 to vector<16xi32>
    %shift_left3A_142 = arith.shli %shift_right_arithmetic3A_139, %shift_left3A_141 : vector<16xi32>
    %and3A_143 = arith.constant 8191 : i32
    %and3A_144 = vector.broadcast %and3A_143 : i32 to vector<16xi32>
    %and3A_145 = arith.andi %get3A_136, %and3A_144 : vector<16xi32>
    %add3A_146 = arith.addi %shift_left3A_142, %and3A_145 : vector<16xi32>
    %swap3A_147 = arith.constant 128 : index
    %swap3A_148 = tpu.vector_load %arg6[%swap3A_147] {strides = array<i32>} : memref<512xi32, #tpu.memory_space<vmem>>, vector<16xi32>,
    %swap3A_149 = vector.shape_cast %swap3A_148 : vector<16xi32> to vector<16xi32>
    %swap3A_150 = vector.shape_cast %add3A_146 : vector<16xi32> to vector<16xi32>
    tpu.vector_store %arg6[%swap3A_147], %swap3A_150 {strides = array<i32>} : memref<512xi32, #tpu.memory_space<vmem>>, vector<16xi32>,
    %get3A_151 = arith.constant 144 : index
    %get3A_152 = tpu.vector_load %arg5[%get3A_151] {strides = array<i32>} : memref<512xi32, #tpu.memory_space<vmem>>, vector<16xi32>,
    %get3A_153 = vector.shape_cast %get3A_152 : vector<16xi32> to vector<16xi32>
    %shift_right_arithmetic3A_154 = arith.constant 16 : i32
    %shift_right_arithmetic3A_155 = vector.broadcast %shift_right_arithmetic3A_154 : i32 to vector<16xi32>
    %shift_right_arithmetic3A_156 = arith.shrsi %get3A_153, %shift_right_arithmetic3A_155 : vector<16xi32>
    %shift_left3A_157 = arith.constant 13 : i32
    %shift_left3A_158 = vector.broadcast %shift_left3A_157 : i32 to vector<16xi32>
    %shift_left3A_159 = arith.shli %shift_right_arithmetic3A_156, %shift_left3A_158 : vector<16xi32>
    %and3A_160 = arith.constant 8191 : i32
    %and3A_161 = vector.broadcast %and3A_160 : i32 to vector<16xi32>
    %and3A_162 = arith.andi %get3A_153, %and3A_161 : vector<16xi32>
    %add3A_163 = arith.addi %shift_left3A_159, %and3A_162 : vector<16xi32>
    %swap3A_164 = arith.constant 144 : index
    %swap3A_165 = tpu.vector_load %arg6[%swap3A_164] {strides = array<i32>} : memref<512xi32, #tpu.memory_space<vmem>>, vector<16xi32>,
    %swap3A_166 = vector.shape_cast %swap3A_165 : vector<16xi32> to vector<16xi32>
    %swap3A_167 = vector.shape_cast %add3A_163 : vector<16xi32> to vector<16xi32>
    tpu.vector_store %arg6[%swap3A_164], %swap3A_167 {strides = array<i32>} : memref<512xi32, #tpu.memory_space<vmem>>, vector<16xi32>,
    %get3A_168 = arith.constant 160 : index
    %get3A_169 = tpu.vector_load %arg5[%get3A_168] {strides = array<i32>} : memref<512xi32, #tpu.memory_space<vmem>>, vector<16xi32>,
    %get3A_170 = vector.shape_cast %get3A_169 : vector<16xi32> to vector<16xi32>
    %shift_right_arithmetic3A_171 = arith.constant 16 : i32
    %shift_right_arithmetic3A_172 = vector.broadcast %shift_right_arithmetic3A_171 : i32 to vector<16xi32>
    %shift_right_arithmetic3A_173 = arith.shrsi %get3A_170, %shift_right_arithmetic3A_172 : vector<16xi32>
    %shift_left3A_174 = arith.constant 13 : i32
    %shift_left3A_175 = vector.broadcast %shift_left3A_174 : i32 to vector<16xi32>
    %shift_left3A_176 = arith.shli %shift_right_arithmetic3A_173, %shift_left3A_175 : vector<16xi32>
    %and3A_177 = arith.constant 8191 : i32
    %and3A_178 = vector.broadcast %and3A_177 : i32 to vector<16xi32>
    %and3A_179 = arith.andi %get3A_170, %and3A_178 : vector<16xi32>
    %add3A_180 = arith.addi %shift_left3A_176, %and3A_179 : vector<16xi32>
    %swap3A_181 = arith.constant 160 : index
    %swap3A_182 = tpu.vector_load %arg6[%swap3A_181] {strides = array<i32>} : memref<512xi32, #tpu.memory_space<vmem>>, vector<16xi32>,
    %swap3A_183 = vector.shape_cast %swap3A_182 : vector<16xi32> to vector<16xi32>
    %swap3A_184 = vector.shape_cast %add3A_180 : vector<16xi32> to vector<16xi32>
    tpu.vector_store %arg6[%swap3A_181], %swap3A_184 {strides = array<i32>} : memref<512xi32, #tpu.memory_space<vmem>>, vector<16xi32>,
    %get3A_185 = arith.constant 176 : index
    %get3A_186 = tpu.vector_load %arg5[%get3A_185] {strides = array<i32>} : memref<512xi32, #tpu.memory_space<vmem>>, vector<16xi32>,
    %get3A_187 = vector.shape_cast %get3A_186 : vector<16xi32> to vector<16xi32>
    %shift_right_arithmetic3A_188 = arith.constant 16 : i32
    %shift_right_arithmetic3A_189 = vector.broadcast %shift_right_arithmetic3A_188 : i32 to vector<16xi32>
    %shift_right_arithmetic3A_190 = arith.shrsi %get3A_187, %shift_right_arithmetic3A_189 : vector<16xi32>
    %shift_left3A_191 = arith.constant 13 : i32
    %shift_left3A_192 = vector.broadcast %shift_left3A_191 : i32 to vector<16xi32>
    %shift_left3A_193 = arith.shli %shift_right_arithmetic3A_190, %shift_left3A_192 : vector<16xi32>
    %and3A_194 = arith.constant 8191 : i32
    %and3A_195 = vector.broadcast %and3A_194 : i32 to vector<16xi32>
    %and3A_196 = arith.andi %get3A_187, %and3A_195 : vector<16xi32>
    %add3A_197 = arith.addi %shift_left3A_193, %and3A_196 : vector<16xi32>
    %swap3A_198 = arith.constant 176 : index
    %swap3A_199 = tpu.vector_load %arg6[%swap3A_198] {strides = array<i32>} : memref<512xi32, #tpu.memory_space<vmem>>, vector<16xi32>,
    %swap3A_200 = vector.shape_cast %swap3A_199 : vector<16xi32> to vector<16xi32>
    %swap3A_201 = vector.shape_cast %add3A_197 : vector<16xi32> to vector<16xi32>
    tpu.vector_store %arg6[%swap3A_198], %swap3A_201 {strides = array<i32>} : memref<512xi32, #tpu.memory_space<vmem>>, vector<16xi32>,
    %get3A_202 = arith.constant 192 : index
    %get3A_203 = tpu.vector_load %arg5[%get3A_202] {strides = array<i32>} : memref<512xi32, #tpu.memory_space<vmem>>, vector<16xi32>,
    %get3A_204 = vector.shape_cast %get3A_203 : vector<16xi32> to vector<16xi32>
    %shift_right_arithmetic3A_205 = arith.constant 16 : i32
    %shift_right_arithmetic3A_206 = vector.broadcast %shift_right_arithmetic3A_205 : i32 to vector<16xi32>
    %shift_right_arithmetic3A_207 = arith.shrsi %get3A_204, %shift_right_arithmetic3A_206 : vector<16xi32>
    %shift_left3A_208 = arith.constant 13 : i32
    %shift_left3A_209 = vector.broadcast %shift_left3A_208 : i32 to vector<16xi32>
    %shift_left3A_210 = arith.shli %shift_right_arithmetic3A_207, %shift_left3A_209 : vector<16xi32>
    %and3A_211 = arith.constant 8191 : i32
    %and3A_212 = vector.broadcast %and3A_211 : i32 to vector<16xi32>
    %and3A_213 = arith.andi %get3A_204, %and3A_212 : vector<16xi32>
    %add3A_214 = arith.addi %shift_left3A_210, %and3A_213 : vector<16xi32>
    %swap3A_215 = arith.constant 192 : index
    %swap3A_216 = tpu.vector_load %arg6[%swap3A_215] {strides = array<i32>} : memref<512xi32, #tpu.memory_space<vmem>>, vector<16xi32>,
    %swap3A_217 = vector.shape_cast %swap3A_216 : vector<16xi32> to vector<16xi32>
    %swap3A_218 = vector.shape_cast %add3A_214 : vector<16xi32> to vector<16xi32>
    tpu.vector_store %arg6[%swap3A_215], %swap3A_218 {strides = array<i32>} : memref<512xi32, #tpu.memory_space<vmem>>, vector<16xi32>,
    %get3A_219 = arith.constant 208 : index
    %get3A_220 = tpu.vector_load %arg5[%get3A_219] {strides = array<i32>} : memref<512xi32, #tpu.memory_space<vmem>>, vector<16xi32>,
    %get3A_221 = vector.shape_cast %get3A_220 : vector<16xi32> to vector<16xi32>
    %shift_right_arithmetic3A_222 = arith.constant 16 : i32
    %shift_right_arithmetic3A_223 = vector.broadcast %shift_right_arithmetic3A_222 : i32 to vector<16xi32>
    %shift_right_arithmetic3A_224 = arith.shrsi %get3A_221, %shift_right_arithmetic3A_223 : vector<16xi32>
    %shift_left3A_225 = arith.constant 13 : i32
    %shift_left3A_226 = vector.broadcast %shift_left3A_225 : i32 to vector<16xi32>
    %shift_left3A_227 = arith.shli %shift_right_arithmetic3A_224, %shift_left3A_226 : vector<16xi32>
    %and3A_228 = arith.constant 8191 : i32
    %and3A_229 = vector.broadcast %and3A_228 : i32 to vector<16xi32>
    %and3A_230 = arith.andi %get3A_221, %and3A_229 : vector<16xi32>
    %add3A_231 = arith.addi %shift_left3A_227, %and3A_230 : vector<16xi32>
    %swap3A_232 = arith.constant 208 : index
    %swap3A_233 = tpu.vector_load %arg6[%swap3A_232] {strides = array<i32>} : memref<512xi32, #tpu.memory_space<vmem>>, vector<16xi32>,
    %swap3A_234 = vector.shape_cast %swap3A_233 : vector<16xi32> to vector<16xi32>
    %swap3A_235 = vector.shape_cast %add3A_231 : vector<16xi32> to vector<16xi32>
    tpu.vector_store %arg6[%swap3A_232], %swap3A_235 {strides = array<i32>} : memref<512xi32, #tpu.memory_space<vmem>>, vector<16xi32>,
    %get3A_236 = arith.constant 224 : index
    %get3A_237 = tpu.vector_load %arg5[%get3A_236] {strides = array<i32>} : memref<512xi32, #tpu.memory_space<vmem>>, vector<16xi32>,
    %get3A_238 = vector.shape_cast %get3A_237 : vector<16xi32> to vector<16xi32>
    %shift_right_arithmetic3A_239 = arith.constant 16 : i32
    %shift_right_arithmetic3A_240 = vector.broadcast %shift_right_arithmetic3A_239 : i32 to vector<16xi32>
    %shift_right_arithmetic3A_241 = arith.shrsi %get3A_238, %shift_right_arithmetic3A_240 : vector<16xi32>
    %shift_left3A_242 = arith.constant 13 : i32
    %shift_left3A_243 = vector.broadcast %shift_left3A_242 : i32 to vector<16xi32>
    %shift_left3A_244 = arith.shli %shift_right_arithmetic3A_241, %shift_left3A_243 : vector<16xi32>
    %and3A_245 = arith.constant 8191 : i32
    %and3A_246 = vector.broadcast %and3A_245 : i32 to vector<16xi32>
    %and3A_247 = arith.andi %get3A_238, %and3A_246 : vector<16xi32>
    %add3A_248 = arith.addi %shift_left3A_244, %and3A_247 : vector<16xi32>
    %swap3A_249 = arith.constant 224 : index
    %swap3A_250 = tpu.vector_load %arg6[%swap3A_249] {strides = array<i32>} : memref<512xi32, #tpu.memory_space<vmem>>, vector<16xi32>,
    %swap3A_251 = vector.shape_cast %swap3A_250 : vector<16xi32> to vector<16xi32>
    %swap3A_252 = vector.shape_cast %add3A_248 : vector<16xi32> to vector<16xi32>
    tpu.vector_store %arg6[%swap3A_249], %swap3A_252 {strides = array<i32>} : memref<512xi32, #tpu.memory_space<vmem>>, vector<16xi32>,
    %get3A_253 = arith.constant 240 : index
    %get3A_254 = tpu.vector_load %arg5[%get3A_253] {strides = array<i32>} : memref<512xi32, #tpu.memory_space<vmem>>, vector<16xi32>,
    %get3A_255 = vector.shape_cast %get3A_254 : vector<16xi32> to vector<16xi32>
    %shift_right_arithmetic3A_256 = arith.constant 16 : i32
    %shift_right_arithmetic3A_257 = vector.broadcast %shift_right_arithmetic3A_256 : i32 to vector<16xi32>
    %shift_right_arithmetic3A_258 = arith.shrsi %get3A_255, %shift_right_arithmetic3A_257 : vector<16xi32>
    %shift_left3A_259 = arith.constant 13 : i32
    %shift_left3A_260 = vector.broadcast %shift_left3A_259 : i32 to vector<16xi32>
    %shift_left3A_261 = arith.shli %shift_right_arithmetic3A_258, %shift_left3A_260 : vector<16xi32>
    %and3A_262 = arith.constant 8191 : i32
    %and3A_263 = vector.broadcast %and3A_262 : i32 to vector<16xi32>
    %and3A_264 = arith.andi %get3A_255, %and3A_263 : vector<16xi32>
    %add3A_265 = arith.addi %shift_left3A_261, %and3A_264 : vector<16xi32>
    %swap3A_266 = arith.constant 240 : index
    %swap3A_267 = tpu.vector_load %arg6[%swap3A_266] {strides = array<i32>} : memref<512xi32, #tpu.memory_space<vmem>>, vector<16xi32>,
    %swap3A_268 = vector.shape_cast %swap3A_267 : vector<16xi32> to vector<16xi32>
    %swap3A_269 = vector.shape_cast %add3A_265 : vector<16xi32> to vector<16xi32>
    tpu.vector_store %arg6[%swap3A_266], %swap3A_269 {strides = array<i32>} : memref<512xi32, #tpu.memory_space<vmem>>, vector<16xi32>,
    %get3A_270 = arith.constant 256 : index
    %get3A_271 = tpu.vector_load %arg5[%get3A_270] {strides = array<i32>} : memref<512xi32, #tpu.memory_space<vmem>>, vector<16xi32>,
    %get3A_272 = vector.shape_cast %get3A_271 : vector<16xi32> to vector<16xi32>
    %shift_right_arithmetic3A_273 = arith.constant 16 : i32
    %shift_right_arithmetic3A_274 = vector.broadcast %shift_right_arithmetic3A_273 : i32 to vector<16xi32>
    %shift_right_arithmetic3A_275 = arith.shrsi %get3A_272, %shift_right_arithmetic3A_274 : vector<16xi32>
    %shift_left3A_276 = arith.constant 13 : i32
    %shift_left3A_277 = vector.broadcast %shift_left3A_276 : i32 to vector<16xi32>
    %shift_left3A_278 = arith.shli %shift_right_arithmetic3A_275, %shift_left3A_277 : vector<16xi32>
    %and3A_279 = arith.constant 8191 : i32
    %and3A_280 = vector.broadcast %and3A_279 : i32 to vector<16xi32>
    %and3A_281 = arith.andi %get3A_272, %and3A_280 : vector<16xi32>
    %add3A_282 = arith.addi %shift_left3A_278, %and3A_281 : vector<16xi32>
    %swap3A_283 = arith.constant 256 : index
    %swap3A_284 = tpu.vector_load %arg6[%swap3A_283] {strides = array<i32>} : memref<512xi32, #tpu.memory_space<vmem>>, vector<16xi32>,
    %swap3A_285 = vector.shape_cast %swap3A_284 : vector<16xi32> to vector<16xi32>
    %swap3A_286 = vector.shape_cast %add3A_282 : vector<16xi32> to vector<16xi32>
    tpu.vector_store %arg6[%swap3A_283], %swap3A_286 {strides = array<i32>} : memref<512xi32, #tpu.memory_space<vmem>>, vector<16xi32>,
    %get3A_287 = arith.constant 272 : index
    %get3A_288 = tpu.vector_load %arg5[%get3A_287] {strides = array<i32>} : memref<512xi32, #tpu.memory_space<vmem>>, vector<16xi32>,
    %get3A_289 = vector.shape_cast %get3A_288 : vector<16xi32> to vector<16xi32>
    %shift_right_arithmetic3A_290 = arith.constant 16 : i32
    %shift_right_arithmetic3A_291 = vector.broadcast %shift_right_arithmetic3A_290 : i32 to vector<16xi32>
    %shift_right_arithmetic3A_292 = arith.shrsi %get3A_289, %shift_right_arithmetic3A_291 : vector<16xi32>
    %shift_left3A_293 = arith.constant 13 : i32
    %shift_left3A_294 = vector.broadcast %shift_left3A_293 : i32 to vector<16xi32>
    %shift_left3A_295 = arith.shli %shift_right_arithmetic3A_292, %shift_left3A_294 : vector<16xi32>
    %and3A_296 = arith.constant 8191 : i32
    %and3A_297 = vector.broadcast %and3A_296 : i32 to vector<16xi32>
    %and3A_298 = arith.andi %get3A_289, %and3A_297 : vector<16xi32>
    %add3A_299 = arith.addi %shift_left3A_295, %and3A_298 : vector<16xi32>
    %swap3A_300 = arith.constant 272 : index
    %swap3A_301 = tpu.vector_load %arg6[%swap3A_300] {strides = array<i32>} : memref<512xi32, #tpu.memory_space<vmem>>, vector<16xi32>,
    %swap3A_302 = vector.shape_cast %swap3A_301 : vector<16xi32> to vector<16xi32>
    %swap3A_303 = vector.shape_cast %add3A_299 : vector<16xi32> to vector<16xi32>
    tpu.vector_store %arg6[%swap3A_300], %swap3A_303 {strides = array<i32>} : memref<512xi32, #tpu.memory_space<vmem>>, vector<16xi32>,
    %get3A_304 = arith.constant 288 : index
    %get3A_305 = tpu.vector_load %arg5[%get3A_304] {strides = array<i32>} : memref<512xi32, #tpu.memory_space<vmem>>, vector<16xi32>,
    %get3A_306 = vector.shape_cast %get3A_305 : vector<16xi32> to vector<16xi32>
    %shift_right_arithmetic3A_307 = arith.constant 16 : i32
    %shift_right_arithmetic3A_308 = vector.broadcast %shift_right_arithmetic3A_307 : i32 to vector<16xi32>
    %shift_right_arithmetic3A_309 = arith.shrsi %get3A_306, %shift_right_arithmetic3A_308 : vector<16xi32>
    %shift_left3A_310 = arith.constant 13 : i32
    %shift_left3A_311 = vector.broadcast %shift_left3A_310 : i32 to vector<16xi32>
    %shift_left3A_312 = arith.shli %shift_right_arithmetic3A_309, %shift_left3A_311 : vector<16xi32>
    %and3A_313 = arith.constant 8191 : i32
    %and3A_314 = vector.broadcast %and3A_313 : i32 to vector<16xi32>
    %and3A_315 = arith.andi %get3A_306, %and3A_314 : vector<16xi32>
    %add3A_316 = arith.addi %shift_left3A_312, %and3A_315 : vector<16xi32>
    %swap3A_317 = arith.constant 288 : index
    %swap3A_318 = tpu.vector_load %arg6[%swap3A_317] {strides = array<i32>} : memref<512xi32, #tpu.memory_space<vmem>>, vector<16xi32>,
    %swap3A_319 = vector.shape_cast %swap3A_318 : vector<16xi32> to vector<16xi32>
    %swap3A_320 = vector.shape_cast %add3A_316 : vector<16xi32> to vector<16xi32>
    tpu.vector_store %arg6[%swap3A_317], %swap3A_320 {strides = array<i32>} : memref<512xi32, #tpu.memory_space<vmem>>, vector<16xi32>,
    %get3A_321 = arith.constant 304 : index
    %get3A_322 = tpu.vector_load %arg5[%get3A_321] {strides = array<i32>} : memref<512xi32, #tpu.memory_space<vmem>>, vector<16xi32>,
    %get3A_323 = vector.shape_cast %get3A_322 : vector<16xi32> to vector<16xi32>
    %shift_right_arithmetic3A_324 = arith.constant 16 : i32
    %shift_right_arithmetic3A_325 = vector.broadcast %shift_right_arithmetic3A_324 : i32 to vector<16xi32>
    %shift_right_arithmetic3A_326 = arith.shrsi %get3A_323, %shift_right_arithmetic3A_325 : vector<16xi32>
    %shift_left3A_327 = arith.constant 13 : i32
    %shift_left3A_328 = vector.broadcast %shift_left3A_327 : i32 to vector<16xi32>
    %shift_left3A_329 = arith.shli %shift_right_arithmetic3A_326, %shift_left3A_328 : vector<16xi32>
    %and3A_330 = arith.constant 8191 : i32
    %and3A_331 = vector.broadcast %and3A_330 : i32 to vector<16xi32>
    %and3A_332 = arith.andi %get3A_323, %and3A_331 : vector<16xi32>
    %add3A_333 = arith.addi %shift_left3A_329, %and3A_332 : vector<16xi32>
    %swap3A_334 = arith.constant 304 : index
    %swap3A_335 = tpu.vector_load %arg6[%swap3A_334] {strides = array<i32>} : memref<512xi32, #tpu.memory_space<vmem>>, vector<16xi32>,
    %swap3A_336 = vector.shape_cast %swap3A_335 : vector<16xi32> to vector<16xi32>
    %swap3A_337 = vector.shape_cast %add3A_333 : vector<16xi32> to vector<16xi32>
    tpu.vector_store %arg6[%swap3A_334], %swap3A_337 {strides = array<i32>} : memref<512xi32, #tpu.memory_space<vmem>>, vector<16xi32>,
    %get3A_338 = arith.constant 320 : index
    %get3A_339 = tpu.vector_load %arg5[%get3A_338] {strides = array<i32>} : memref<512xi32, #tpu.memory_space<vmem>>, vector<16xi32>,
    %get3A_340 = vector.shape_cast %get3A_339 : vector<16xi32> to vector<16xi32>
    %shift_right_arithmetic3A_341 = arith.constant 16 : i32
    %shift_right_arithmetic3A_342 = vector.broadcast %shift_right_arithmetic3A_341 : i32 to vector<16xi32>
    %shift_right_arithmetic3A_343 = arith.shrsi %get3A_340, %shift_right_arithmetic3A_342 : vector<16xi32>
    %shift_left3A_344 = arith.constant 13 : i32
    %shift_left3A_345 = vector.broadcast %shift_left3A_344 : i32 to vector<16xi32>
    %shift_left3A_346 = arith.shli %shift_right_arithmetic3A_343, %shift_left3A_345 : vector<16xi32>
    %and3A_347 = arith.constant 8191 : i32
    %and3A_348 = vector.broadcast %and3A_347 : i32 to vector<16xi32>
    %and3A_349 = arith.andi %get3A_340, %and3A_348 : vector<16xi32>
    %add3A_350 = arith.addi %shift_left3A_346, %and3A_349 : vector<16xi32>
    %swap3A_351 = arith.constant 320 : index
    %swap3A_352 = tpu.vector_load %arg6[%swap3A_351] {strides = array<i32>} : memref<512xi32, #tpu.memory_space<vmem>>, vector<16xi32>,
    %swap3A_353 = vector.shape_cast %swap3A_352 : vector<16xi32> to vector<16xi32>
    %swap3A_354 = vector.shape_cast %add3A_350 : vector<16xi32> to vector<16xi32>
    tpu.vector_store %arg6[%swap3A_351], %swap3A_354 {strides = array<i32>} : memref<512xi32, #tpu.memory_space<vmem>>, vector<16xi32>,
    %get3A_355 = arith.constant 336 : index
    %get3A_356 = tpu.vector_load %arg5[%get3A_355] {strides = array<i32>} : memref<512xi32, #tpu.memory_space<vmem>>, vector<16xi32>,
    %get3A_357 = vector.shape_cast %get3A_356 : vector<16xi32> to vector<16xi32>
    %shift_right_arithmetic3A_358 = arith.constant 16 : i32
    %shift_right_arithmetic3A_359 = vector.broadcast %shift_right_arithmetic3A_358 : i32 to vector<16xi32>
    %shift_right_arithmetic3A_360 = arith.shrsi %get3A_357, %shift_right_arithmetic3A_359 : vector<16xi32>
    %shift_left3A_361 = arith.constant 13 : i32
    %shift_left3A_362 = vector.broadcast %shift_left3A_361 : i32 to vector<16xi32>
    %shift_left3A_363 = arith.shli %shift_right_arithmetic3A_360, %shift_left3A_362 : vector<16xi32>
    %and3A_364 = arith.constant 8191 : i32
    %and3A_365 = vector.broadcast %and3A_364 : i32 to vector<16xi32>
    %and3A_366 = arith.andi %get3A_357, %and3A_365 : vector<16xi32>
    %add3A_367 = arith.addi %shift_left3A_363, %and3A_366 : vector<16xi32>
    %swap3A_368 = arith.constant 336 : index
    %swap3A_369 = tpu.vector_load %arg6[%swap3A_368] {strides = array<i32>} : memref<512xi32, #tpu.memory_space<vmem>>, vector<16xi32>,
    %swap3A_370 = vector.shape_cast %swap3A_369 : vector<16xi32> to vector<16xi32>
    %swap3A_371 = vector.shape_cast %add3A_367 : vector<16xi32> to vector<16xi32>
    tpu.vector_store %arg6[%swap3A_368], %swap3A_371 {strides = array<i32>} : memref<512xi32, #tpu.memory_space<vmem>>, vector<16xi32>,
    %get3A_372 = arith.constant 352 : index
    %get3A_373 = tpu.vector_load %arg5[%get3A_372] {strides = array<i32>} : memref<512xi32, #tpu.memory_space<vmem>>, vector<16xi32>,
    %get3A_374 = vector.shape_cast %get3A_373 : vector<16xi32> to vector<16xi32>
    %shift_right_arithmetic3A_375 = arith.constant 16 : i32
    %shift_right_arithmetic3A_376 = vector.broadcast %shift_right_arithmetic3A_375 : i32 to vector<16xi32>
    %shift_right_arithmetic3A_377 = arith.shrsi %get3A_374, %shift_right_arithmetic3A_376 : vector<16xi32>
    %shift_left3A_378 = arith.constant 13 : i32
    %shift_left3A_379 = vector.broadcast %shift_left3A_378 : i32 to vector<16xi32>
    %shift_left3A_380 = arith.shli %shift_right_arithmetic3A_377, %shift_left3A_379 : vector<16xi32>
    %and3A_381 = arith.constant 8191 : i32
    %and3A_382 = vector.broadcast %and3A_381 : i32 to vector<16xi32>
    %and3A_383 = arith.andi %get3A_374, %and3A_382 : vector<16xi32>
    %add3A_384 = arith.addi %shift_left3A_380, %and3A_383 : vector<16xi32>
    %swap3A_385 = arith.constant 352 : index
    %swap3A_386 = tpu.vector_load %arg6[%swap3A_385] {strides = array<i32>} : memref<512xi32, #tpu.memory_space<vmem>>, vector<16xi32>,
    %swap3A_387 = vector.shape_cast %swap3A_386 : vector<16xi32> to vector<16xi32>
    %swap3A_388 = vector.shape_cast %add3A_384 : vector<16xi32> to vector<16xi32>
    tpu.vector_store %arg6[%swap3A_385], %swap3A_388 {strides = array<i32>} : memref<512xi32, #tpu.memory_space<vmem>>, vector<16xi32>,
    %get3A_389 = arith.constant 368 : index
    %get3A_390 = tpu.vector_load %arg5[%get3A_389] {strides = array<i32>} : memref<512xi32, #tpu.memory_space<vmem>>, vector<16xi32>,
    %get3A_391 = vector.shape_cast %get3A_390 : vector<16xi32> to vector<16xi32>
    %shift_right_arithmetic3A_392 = arith.constant 16 : i32
    %shift_right_arithmetic3A_393 = vector.broadcast %shift_right_arithmetic3A_392 : i32 to vector<16xi32>
    %shift_right_arithmetic3A_394 = arith.shrsi %get3A_391, %shift_right_arithmetic3A_393 : vector<16xi32>
    %shift_left3A_395 = arith.constant 13 : i32
    %shift_left3A_396 = vector.broadcast %shift_left3A_395 : i32 to vector<16xi32>
    %shift_left3A_397 = arith.shli %shift_right_arithmetic3A_394, %shift_left3A_396 : vector<16xi32>
    %and3A_398 = arith.constant 8191 : i32
    %and3A_399 = vector.broadcast %and3A_398 : i32 to vector<16xi32>
    %and3A_400 = arith.andi %get3A_391, %and3A_399 : vector<16xi32>
    %add3A_401 = arith.addi %shift_left3A_397, %and3A_400 : vector<16xi32>
    %swap3A_402 = arith.constant 368 : index
    %swap3A_403 = tpu.vector_load %arg6[%swap3A_402] {strides = array<i32>} : memref<512xi32, #tpu.memory_space<vmem>>, vector<16xi32>,
    %swap3A_404 = vector.shape_cast %swap3A_403 : vector<16xi32> to vector<16xi32>
    %swap3A_405 = vector.shape_cast %add3A_401 : vector<16xi32> to vector<16xi32>
    tpu.vector_store %arg6[%swap3A_402], %swap3A_405 {strides = array<i32>} : memref<512xi32, #tpu.memory_space<vmem>>, vector<16xi32>,
    %get3A_406 = arith.constant 384 : index
    %get3A_407 = tpu.vector_load %arg5[%get3A_406] {strides = array<i32>} : memref<512xi32, #tpu.memory_space<vmem>>, vector<16xi32>,
    %get3A_408 = vector.shape_cast %get3A_407 : vector<16xi32> to vector<16xi32>
    %shift_right_arithmetic3A_409 = arith.constant 16 : i32
    %shift_right_arithmetic3A_410 = vector.broadcast %shift_right_arithmetic3A_409 : i32 to vector<16xi32>
    %shift_right_arithmetic3A_411 = arith.shrsi %get3A_408, %shift_right_arithmetic3A_410 : vector<16xi32>
    %shift_left3A_412 = arith.constant 13 : i32
    %shift_left3A_413 = vector.broadcast %shift_left3A_412 : i32 to vector<16xi32>
    %shift_left3A_414 = arith.shli %shift_right_arithmetic3A_411, %shift_left3A_413 : vector<16xi32>
    %and3A_415 = arith.constant 8191 : i32
    %and3A_416 = vector.broadcast %and3A_415 : i32 to vector<16xi32>
    %and3A_417 = arith.andi %get3A_408, %and3A_416 : vector<16xi32>
    %add3A_418 = arith.addi %shift_left3A_414, %and3A_417 : vector<16xi32>
    %swap3A_419 = arith.constant 384 : index
    %swap3A_420 = tpu.vector_load %arg6[%swap3A_419] {strides = array<i32>} : memref<512xi32, #tpu.memory_space<vmem>>, vector<16xi32>,
    %swap3A_421 = vector.shape_cast %swap3A_420 : vector<16xi32> to vector<16xi32>
    %swap3A_422 = vector.shape_cast %add3A_418 : vector<16xi32> to vector<16xi32>
    tpu.vector_store %arg6[%swap3A_419], %swap3A_422 {strides = array<i32>} : memref<512xi32, #tpu.memory_space<vmem>>, vector<16xi32>,
    %get3A_423 = arith.constant 400 : index
    %get3A_424 = tpu.vector_load %arg5[%get3A_423] {strides = array<i32>} : memref<512xi32, #tpu.memory_space<vmem>>, vector<16xi32>,
    %get3A_425 = vector.shape_cast %get3A_424 : vector<16xi32> to vector<16xi32>
    %shift_right_arithmetic3A_426 = arith.constant 16 : i32
    %shift_right_arithmetic3A_427 = vector.broadcast %shift_right_arithmetic3A_426 : i32 to vector<16xi32>
    %shift_right_arithmetic3A_428 = arith.shrsi %get3A_425, %shift_right_arithmetic3A_427 : vector<16xi32>
    %shift_left3A_429 = arith.constant 13 : i32
    %shift_left3A_430 = vector.broadcast %shift_left3A_429 : i32 to vector<16xi32>
    %shift_left3A_431 = arith.shli %shift_right_arithmetic3A_428, %shift_left3A_430 : vector<16xi32>
    %and3A_432 = arith.constant 8191 : i32
    %and3A_433 = vector.broadcast %and3A_432 : i32 to vector<16xi32>
    %and3A_434 = arith.andi %get3A_425, %and3A_433 : vector<16xi32>
    %add3A_435 = arith.addi %shift_left3A_431, %and3A_434 : vector<16xi32>
    %swap3A_436 = arith.constant 400 : index
    %swap3A_437 = tpu.vector_load %arg6[%swap3A_436] {strides = array<i32>} : memref<512xi32, #tpu.memory_space<vmem>>, vector<16xi32>,
    %swap3A_438 = vector.shape_cast %swap3A_437 : vector<16xi32> to vector<16xi32>
    %swap3A_439 = vector.shape_cast %add3A_435 : vector<16xi32> to vector<16xi32>
    tpu.vector_store %arg6[%swap3A_436], %swap3A_439 {strides = array<i32>} : memref<512xi32, #tpu.memory_space<vmem>>, vector<16xi32>,
    %get3A_440 = arith.constant 416 : index
    %get3A_441 = tpu.vector_load %arg5[%get3A_440] {strides = array<i32>} : memref<512xi32, #tpu.memory_space<vmem>>, vector<16xi32>,
    %get3A_442 = vector.shape_cast %get3A_441 : vector<16xi32> to vector<16xi32>
    %shift_right_arithmetic3A_443 = arith.constant 16 : i32
    %shift_right_arithmetic3A_444 = vector.broadcast %shift_right_arithmetic3A_443 : i32 to vector<16xi32>
    %shift_right_arithmetic3A_445 = arith.shrsi %get3A_442, %shift_right_arithmetic3A_444 : vector<16xi32>
    %shift_left3A_446 = arith.constant 13 : i32
    %shift_left3A_447 = vector.broadcast %shift_left3A_446 : i32 to vector<16xi32>
    %shift_left3A_448 = arith.shli %shift_right_arithmetic3A_445, %shift_left3A_447 : vector<16xi32>
    %and3A_449 = arith.constant 8191 : i32
    %and3A_450 = vector.broadcast %and3A_449 : i32 to vector<16xi32>
    %and3A_451 = arith.andi %get3A_442, %and3A_450 : vector<16xi32>
    %add3A_452 = arith.addi %shift_left3A_448, %and3A_451 : vector<16xi32>
    %swap3A_453 = arith.constant 416 : index
    %swap3A_454 = tpu.vector_load %arg6[%swap3A_453] {strides = array<i32>} : memref<512xi32, #tpu.memory_space<vmem>>, vector<16xi32>,
    %swap3A_455 = vector.shape_cast %swap3A_454 : vector<16xi32> to vector<16xi32>
    %swap3A_456 = vector.shape_cast %add3A_452 : vector<16xi32> to vector<16xi32>
    tpu.vector_store %arg6[%swap3A_453], %swap3A_456 {strides = array<i32>} : memref<512xi32, #tpu.memory_space<vmem>>, vector<16xi32>,
    %get3A_457 = arith.constant 432 : index
    %get3A_458 = tpu.vector_load %arg5[%get3A_457] {strides = array<i32>} : memref<512xi32, #tpu.memory_space<vmem>>, vector<16xi32>,
    %get3A_459 = vector.shape_cast %get3A_458 : vector<16xi32> to vector<16xi32>
    %shift_right_arithmetic3A_460 = arith.constant 16 : i32
    %shift_right_arithmetic3A_461 = vector.broadcast %shift_right_arithmetic3A_460 : i32 to vector<16xi32>
    %shift_right_arithmetic3A_462 = arith.shrsi %get3A_459, %shift_right_arithmetic3A_461 : vector<16xi32>
    %shift_left3A_463 = arith.constant 13 : i32
    %shift_left3A_464 = vector.broadcast %shift_left3A_463 : i32 to vector<16xi32>
    %shift_left3A_465 = arith.shli %shift_right_arithmetic3A_462, %shift_left3A_464 : vector<16xi32>
    %and3A_466 = arith.constant 8191 : i32
    %and3A_467 = vector.broadcast %and3A_466 : i32 to vector<16xi32>
    %and3A_468 = arith.andi %get3A_459, %and3A_467 : vector<16xi32>
    %add3A_469 = arith.addi %shift_left3A_465, %and3A_468 : vector<16xi32>
    %swap3A_470 = arith.constant 432 : index
    %swap3A_471 = tpu.vector_load %arg6[%swap3A_470] {strides = array<i32>} : memref<512xi32, #tpu.memory_space<vmem>>, vector<16xi32>,
    %swap3A_472 = vector.shape_cast %swap3A_471 : vector<16xi32> to vector<16xi32>
    %swap3A_473 = vector.shape_cast %add3A_469 : vector<16xi32> to vector<16xi32>
    tpu.vector_store %arg6[%swap3A_470], %swap3A_473 {strides = array<i32>} : memref<512xi32, #tpu.memory_space<vmem>>, vector<16xi32>,
    %get3A_474 = arith.constant 448 : index
    %get3A_475 = tpu.vector_load %arg5[%get3A_474] {strides = array<i32>} : memref<512xi32, #tpu.memory_space<vmem>>, vector<16xi32>,
    %get3A_476 = vector.shape_cast %get3A_475 : vector<16xi32> to vector<16xi32>
    %shift_right_arithmetic3A_477 = arith.constant 16 : i32
    %shift_right_arithmetic3A_478 = vector.broadcast %shift_right_arithmetic3A_477 : i32 to vector<16xi32>
    %shift_right_arithmetic3A_479 = arith.shrsi %get3A_476, %shift_right_arithmetic3A_478 : vector<16xi32>
    %shift_left3A_480 = arith.constant 13 : i32
    %shift_left3A_481 = vector.broadcast %shift_left3A_480 : i32 to vector<16xi32>
    %shift_left3A_482 = arith.shli %shift_right_arithmetic3A_479, %shift_left3A_481 : vector<16xi32>
    %and3A_483 = arith.constant 8191 : i32
    %and3A_484 = vector.broadcast %and3A_483 : i32 to vector<16xi32>
    %and3A_485 = arith.andi %get3A_476, %and3A_484 : vector<16xi32>
    %add3A_486 = arith.addi %shift_left3A_482, %and3A_485 : vector<16xi32>
    %swap3A_487 = arith.constant 448 : index
    %swap3A_488 = tpu.vector_load %arg6[%swap3A_487] {strides = array<i32>} : memref<512xi32, #tpu.memory_space<vmem>>, vector<16xi32>,
    %swap3A_489 = vector.shape_cast %swap3A_488 : vector<16xi32> to vector<16xi32>
    %swap3A_490 = vector.shape_cast %add3A_486 : vector<16xi32> to vector<16xi32>
    tpu.vector_store %arg6[%swap3A_487], %swap3A_490 {strides = array<i32>} : memref<512xi32, #tpu.memory_space<vmem>>, vector<16xi32>,
    %get3A_491 = arith.constant 464 : index
    %get3A_492 = tpu.vector_load %arg5[%get3A_491] {strides = array<i32>} : memref<512xi32, #tpu.memory_space<vmem>>, vector<16xi32>,
    %get3A_493 = vector.shape_cast %get3A_492 : vector<16xi32> to vector<16xi32>
    %shift_right_arithmetic3A_494 = arith.constant 16 : i32
    %shift_right_arithmetic3A_495 = vector.broadcast %shift_right_arithmetic3A_494 : i32 to vector<16xi32>
    %shift_right_arithmetic3A_496 = arith.shrsi %get3A_493, %shift_right_arithmetic3A_495 : vector<16xi32>
    %shift_left3A_497 = arith.constant 13 : i32
    %shift_left3A_498 = vector.broadcast %shift_left3A_497 : i32 to vector<16xi32>
    %shift_left3A_499 = arith.shli %shift_right_arithmetic3A_496, %shift_left3A_498 : vector<16xi32>
    %and3A_500 = arith.constant 8191 : i32
    %and3A_501 = vector.broadcast %and3A_500 : i32 to vector<16xi32>
    %and3A_502 = arith.andi %get3A_493, %and3A_501 : vector<16xi32>
    %add3A_503 = arith.addi %shift_left3A_499, %and3A_502 : vector<16xi32>
    %swap3A_504 = arith.constant 464 : index
    %swap3A_505 = tpu.vector_load %arg6[%swap3A_504] {strides = array<i32>} : memref<512xi32, #tpu.memory_space<vmem>>, vector<16xi32>,
    %swap3A_506 = vector.shape_cast %swap3A_505 : vector<16xi32> to vector<16xi32>
    %swap3A_507 = vector.shape_cast %add3A_503 : vector<16xi32> to vector<16xi32>
    tpu.vector_store %arg6[%swap3A_504], %swap3A_507 {strides = array<i32>} : memref<512xi32, #tpu.memory_space<vmem>>, vector<16xi32>,
    %get3A_508 = arith.constant 480 : index
    %get3A_509 = tpu.vector_load %arg5[%get3A_508] {strides = array<i32>} : memref<512xi32, #tpu.memory_space<vmem>>, vector<16xi32>,
    %get3A_510 = vector.shape_cast %get3A_509 : vector<16xi32> to vector<16xi32>
    %shift_right_arithmetic3A_511 = arith.constant 16 : i32
    %shift_right_arithmetic3A_512 = vector.broadcast %shift_right_arithmetic3A_511 : i32 to vector<16xi32>
    %shift_right_arithmetic3A_513 = arith.shrsi %get3A_510, %shift_right_arithmetic3A_512 : vector<16xi32>
    %shift_left3A_514 = arith.constant 13 : i32
    %shift_left3A_515 = vector.broadcast %shift_left3A_514 : i32 to vector<16xi32>
    %shift_left3A_516 = arith.shli %shift_right_arithmetic3A_513, %shift_left3A_515 : vector<16xi32>
    %and3A_517 = arith.constant 8191 : i32
    %and3A_518 = vector.broadcast %and3A_517 : i32 to vector<16xi32>
    %and3A_519 = arith.andi %get3A_510, %and3A_518 : vector<16xi32>
    %add3A_520 = arith.addi %shift_left3A_516, %and3A_519 : vector<16xi32>
    %swap3A_521 = arith.constant 480 : index
    %swap3A_522 = tpu.vector_load %arg6[%swap3A_521] {strides = array<i32>} : memref<512xi32, #tpu.memory_space<vmem>>, vector<16xi32>,
    %swap3A_523 = vector.shape_cast %swap3A_522 : vector<16xi32> to vector<16xi32>
    %swap3A_524 = vector.shape_cast %add3A_520 : vector<16xi32> to vector<16xi32>
    tpu.vector_store %arg6[%swap3A_521], %swap3A_524 {strides = array<i32>} : memref<512xi32, #tpu.memory_space<vmem>>, vector<16xi32>,
    %get3A_525 = arith.constant 496 : index
    %get3A_526 = tpu.vector_load %arg5[%get3A_525] {strides = array<i32>} : memref<512xi32, #tpu.memory_space<vmem>>, vector<16xi32>,
    %get3A_527 = vector.shape_cast %get3A_526 : vector<16xi32> to vector<16xi32>
    %shift_right_arithmetic3A_528 = arith.constant 16 : i32
    %shift_right_arithmetic3A_529 = vector.broadcast %shift_right_arithmetic3A_528 : i32 to vector<16xi32>
    %shift_right_arithmetic3A_530 = arith.shrsi %get3A_527, %shift_right_arithmetic3A_529 : vector<16xi32>
    %shift_left3A_531 = arith.constant 13 : i32
    %shift_left3A_532 = vector.broadcast %shift_left3A_531 : i32 to vector<16xi32>
    %shift_left3A_533 = arith.shli %shift_right_arithmetic3A_530, %shift_left3A_532 : vector<16xi32>
    %and3A_534 = arith.constant 8191 : i32
    %and3A_535 = vector.broadcast %and3A_534 : i32 to vector<16xi32>
    %and3A_536 = arith.andi %get3A_527, %and3A_535 : vector<16xi32>
    %add3A_537 = arith.addi %shift_left3A_533, %and3A_536 : vector<16xi32>
    %swap3A_538 = arith.constant 496 : index
    %swap3A_539 = tpu.vector_load %arg6[%swap3A_538] {strides = array<i32>} : memref<512xi32, #tpu.memory_space<vmem>>, vector<16xi32>,
    %swap3A_540 = vector.shape_cast %swap3A_539 : vector<16xi32> to vector<16xi32>
    %swap3A_541 = vector.shape_cast %add3A_537 : vector<16xi32> to vector<16xi32>
    tpu.vector_store %arg6[%swap3A_538], %swap3A_541 {strides = array<i32>} : memref<512xi32, #tpu.memory_space<vmem>>, vector<16xi32>,
    %dma_start3A = arith.constant 0 : i32
    %dma_start3A_542 = arith.constant 0 : i32
    %dma_start3A_543 = tpu.memref_slice %arg7[%dma_start3A, %dma_start3A_542] : memref<512x128xi32, #tpu.memory_space<vmem>> -> memref<128x128xi32, #tpu.memory_space<vmem>>
    %dma_start3A_544 = arith.constant 0 : i32
    %dma_start3A_545 = tpu.memref_slice %arg6[%dma_start3A_544] : memref<512xi32, #tpu.memory_space<vmem>> -> memref<128xi32, #tpu.memory_space<vmem>>
    %dma_start3A_546 = arith.constant 0 : i32
    %dma_start3A_547 = arith.constant 0 : i32
    %dma_start3A_548 = tpu.memref_slice %arg2[%dma_start3A_546, %dma_start3A_547] : memref<131072x128xi32, #tpu.memory_space<hbm>> -> memref<131072x128xi32, #tpu.memory_space<hbm>>
    tpu.enqueue_indirect_dma source(%dma_start3A_548 : memref<131072x128xi32, #tpu.memory_space<hbm>>) target(%dma_start3A_543 : memref<128x128xi32, #tpu.memory_space<vmem>>) offsets(%dma_start3A_545 : memref<128xi32, #tpu.memory_space<vmem>>) semaphore(%arg8 : memref<!tpu.dma_semaphore, #tpu.memory_space<semaphore_mem>>)
    %dma_start3A_549 = arith.constant 128 : i32
    %dma_start3A_550 = arith.constant 0 : i32
    %dma_start3A_551 = tpu.memref_slice %arg7[%dma_start3A_549, %dma_start3A_550] : memref<512x128xi32, #tpu.memory_space<vmem>> -> memref<128x128xi32, #tpu.memory_space<vmem>>
    %dma_start3A_552 = arith.constant 128 : i32
    %dma_start3A_553 = tpu.memref_slice %arg6[%dma_start3A_552] : memref<512xi32, #tpu.memory_space<vmem>> -> memref<128xi32, #tpu.memory_space<vmem>>
    %dma_start3A_554 = arith.constant 0 : i32
    %dma_start3A_555 = arith.constant 0 : i32
    %dma_start3A_556 = tpu.memref_slice %arg2[%dma_start3A_554, %dma_start3A_555] : memref<131072x128xi32, #tpu.memory_space<hbm>> -> memref<131072x128xi32, #tpu.memory_space<hbm>>
    tpu.enqueue_indirect_dma source(%dma_start3A_556 : memref<131072x128xi32, #tpu.memory_space<hbm>>) target(%dma_start3A_551 : memref<128x128xi32, #tpu.memory_space<vmem>>) offsets(%dma_start3A_553 : memref<128xi32, #tpu.memory_space<vmem>>) semaphore(%arg8 : memref<!tpu.dma_semaphore, #tpu.memory_space<semaphore_mem>>)
    %dma_start3A_557 = arith.constant 256 : i32
    %dma_start3A_558 = arith.constant 0 : i32
    %dma_start3A_559 = tpu.memref_slice %arg7[%dma_start3A_557, %dma_start3A_558] : memref<512x128xi32, #tpu.memory_space<vmem>> -> memref<128x128xi32, #tpu.memory_space<vmem>>
    %dma_start3A_560 = arith.constant 256 : i32
    %dma_start3A_561 = tpu.memref_slice %arg6[%dma_start3A_560] : memref<512xi32, #tpu.memory_space<vmem>> -> memref<128xi32, #tpu.memory_space<vmem>>
    %dma_start3A_562 = arith.constant 0 : i32
    %dma_start3A_563 = arith.constant 0 : i32
    %dma_start3A_564 = tpu.memref_slice %arg2[%dma_start3A_562, %dma_start3A_563] : memref<131072x128xi32, #tpu.memory_space<hbm>> -> memref<131072x128xi32, #tpu.memory_space<hbm>>
    tpu.enqueue_indirect_dma source(%dma_start3A_564 : memref<131072x128xi32, #tpu.memory_space<hbm>>) target(%dma_start3A_559 : memref<128x128xi32, #tpu.memory_space<vmem>>) offsets(%dma_start3A_561 : memref<128xi32, #tpu.memory_space<vmem>>) semaphore(%arg8 : memref<!tpu.dma_semaphore, #tpu.memory_space<semaphore_mem>>)
    %dma_start3A_565 = arith.constant 384 : i32
    %dma_start3A_566 = arith.constant 0 : i32
    %dma_start3A_567 = tpu.memref_slice %arg7[%dma_start3A_565, %dma_start3A_566] : memref<512x128xi32, #tpu.memory_space<vmem>> -> memref<128x128xi32, #tpu.memory_space<vmem>>
    %dma_start3A_568 = arith.constant 384 : i32
    %dma_start3A_569 = tpu.memref_slice %arg6[%dma_start3A_568] : memref<512xi32, #tpu.memory_space<vmem>> -> memref<128xi32, #tpu.memory_space<vmem>>
    %dma_start3A_570 = arith.constant 0 : i32
    %dma_start3A_571 = arith.constant 0 : i32
    %dma_start3A_572 = tpu.memref_slice %arg2[%dma_start3A_570, %dma_start3A_571] : memref<131072x128xi32, #tpu.memory_space<hbm>> -> memref<131072x128xi32, #tpu.memory_space<hbm>>
    tpu.enqueue_indirect_dma source(%dma_start3A_572 : memref<131072x128xi32, #tpu.memory_space<hbm>>) target(%dma_start3A_567 : memref<128x128xi32, #tpu.memory_space<vmem>>) offsets(%dma_start3A_569 : memref<128xi32, #tpu.memory_space<vmem>>) semaphore(%arg8 : memref<!tpu.dma_semaphore, #tpu.memory_space<semaphore_mem>>)
    %dma_wait3A = arith.constant 0 : i32
    %dma_wait3A_573 = arith.constant 0 : i32
    %dma_wait3A_574 = tpu.memref_slice %arg7[%dma_wait3A, %dma_wait3A_573] : memref<512x128xi32, #tpu.memory_space<vmem>> -> memref<128x128xi32, #tpu.memory_space<vmem>>
    %dma_wait3A_575 = arith.constant 0 : i32
    %dma_wait3A_576 = tpu.memref_slice %arg6[%dma_wait3A_575] : memref<512xi32, #tpu.memory_space<vmem>> -> memref<128xi32, #tpu.memory_space<vmem>>
    %dma_wait3A_577 = arith.constant 0 : i32
    %dma_wait3A_578 = arith.constant 0 : i32
    %dma_wait3A_579 = tpu.memref_slice %arg2[%dma_wait3A_577, %dma_wait3A_578] : memref<131072x128xi32, #tpu.memory_space<hbm>> -> memref<131072x128xi32, #tpu.memory_space<hbm>>
    tpu.wait_indirect_dma semaphore(%arg8 : memref<!tpu.dma_semaphore, #tpu.memory_space<semaphore_mem>>) src(%dma_wait3A_579 : memref<131072x128xi32, #tpu.memory_space<hbm>>) dst(%dma_wait3A_574 : memref<128x128xi32, #tpu.memory_space<vmem>>)
    %dma_wait3A_580 = arith.constant 128 : i32
    %dma_wait3A_581 = arith.constant 0 : i32
    %dma_wait3A_582 = tpu.memref_slice %arg7[%dma_wait3A_580, %dma_wait3A_581] : memref<512x128xi32, #tpu.memory_space<vmem>> -> memref<128x128xi32, #tpu.memory_space<vmem>>
    %dma_wait3A_583 = arith.constant 128 : i32
    %dma_wait3A_584 = tpu.memref_slice %arg6[%dma_wait3A_583] : memref<512xi32, #tpu.memory_space<vmem>> -> memref<128xi32, #tpu.memory_space<vmem>>
    %dma_wait3A_585 = arith.constant 0 : i32
    %dma_wait3A_586 = arith.constant 0 : i32
    %dma_wait3A_587 = tpu.memref_slice %arg2[%dma_wait3A_585, %dma_wait3A_586] : memref<131072x128xi32, #tpu.memory_space<hbm>> -> memref<131072x128xi32, #tpu.memory_space<hbm>>
    tpu.wait_indirect_dma semaphore(%arg8 : memref<!tpu.dma_semaphore, #tpu.memory_space<semaphore_mem>>) src(%dma_wait3A_587 : memref<131072x128xi32, #tpu.memory_space<hbm>>) dst(%dma_wait3A_582 : memref<128x128xi32, #tpu.memory_space<vmem>>)
    %dma_wait3A_588 = arith.constant 256 : i32
    %dma_wait3A_589 = arith.constant 0 : i32
    %dma_wait3A_590 = tpu.memref_slice %arg7[%dma_wait3A_588, %dma_wait3A_589] : memref<512x128xi32, #tpu.memory_space<vmem>> -> memref<128x128xi32, #tpu.memory_space<vmem>>
    %dma_wait3A_591 = arith.constant 256 : i32
    %dma_wait3A_592 = tpu.memref_slice %arg6[%dma_wait3A_591] : memref<512xi32, #tpu.memory_space<vmem>> -> memref<128xi32, #tpu.memory_space<vmem>>
    %dma_wait3A_593 = arith.constant 0 : i32
    %dma_wait3A_594 = arith.constant 0 : i32
    %dma_wait3A_595 = tpu.memref_slice %arg2[%dma_wait3A_593, %dma_wait3A_594] : memref<131072x128xi32, #tpu.memory_space<hbm>> -> memref<131072x128xi32, #tpu.memory_space<hbm>>
    tpu.wait_indirect_dma semaphore(%arg8 : memref<!tpu.dma_semaphore, #tpu.memory_space<semaphore_mem>>) src(%dma_wait3A_595 : memref<131072x128xi32, #tpu.memory_space<hbm>>) dst(%dma_wait3A_590 : memref<128x128xi32, #tpu.memory_space<vmem>>)
    %dma_wait3A_596 = arith.constant 384 : i32
    %dma_wait3A_597 = arith.constant 0 : i32
    %dma_wait3A_598 = tpu.memref_slice %arg7[%dma_wait3A_596, %dma_wait3A_597] : memref<512x128xi32, #tpu.memory_space<vmem>> -> memref<128x128xi32, #tpu.memory_space<vmem>>
    %dma_wait3A_599 = arith.constant 384 : i32
    %dma_wait3A_600 = tpu.memref_slice %arg6[%dma_wait3A_599] : memref<512xi32, #tpu.memory_space<vmem>> -> memref<128xi32, #tpu.memory_space<vmem>>
    %dma_wait3A_601 = arith.constant 0 : i32
    %dma_wait3A_602 = arith.constant 0 : i32
    %dma_wait3A_603 = tpu.memref_slice %arg2[%dma_wait3A_601, %dma_wait3A_602] : memref<131072x128xi32, #tpu.memory_space<hbm>> -> memref<131072x128xi32, #tpu.memory_space<hbm>>
    tpu.wait_indirect_dma semaphore(%arg8 : memref<!tpu.dma_semaphore, #tpu.memory_space<semaphore_mem>>) src(%dma_wait3A_603 : memref<131072x128xi32, #tpu.memory_space<hbm>>) dst(%dma_wait3A_598 : memref<128x128xi32, #tpu.memory_space<vmem>>)
    "tpu.region"() ({
      %run_scoped3A = tpu.sem_alloc : memref<!tpu.dma_semaphore, #tpu.memory_space<semaphore_mem>>
      %dma_start3A_604 = arith.constant 0 : i32
      %dma_start3A_605 = tpu.memref_slice %arg4[%mul3A_2, %dma_start3A_604] : memref<16384x128xi32, #tpu.memory_space<hbm>> -> memref<512x128xi32, #tpu.memory_space<hbm>>
      %dma_start3A_606 = arith.constant 0 : i32
      %dma_start3A_607 = tpu.memref_slice %arg4[%mul3A_2, %dma_start3A_606] : memref<16384x128xi32, #tpu.memory_space<hbm>> -> memref<512x128xi32, #tpu.memory_space<hbm>>
      tpu.enqueue_dma source(%arg7 : memref<512x128xi32, #tpu.memory_space<vmem>>) target(%dma_start3A_607 : memref<512x128xi32, #tpu.memory_space<hbm>>) target_semaphore(%run_scoped3A : memref<!tpu.dma_semaphore, #tpu.memory_space<semaphore_mem>>)
      %dma_wait3A_608 = arith.constant 0 : i32
      %dma_wait3A_609 = tpu.memref_slice %arg4[%mul3A_2, %dma_wait3A_608] : memref<16384x128xi32, #tpu.memory_space<hbm>> -> memref<512x128xi32, #tpu.memory_space<hbm>>
      %dma_wait3A_610 = arith.constant 0 : i32
      %dma_wait3A_611 = tpu.memref_slice %arg4[%mul3A_2, %dma_wait3A_610] : memref<16384x128xi32, #tpu.memory_space<hbm>> -> memref<512x128xi32, #tpu.memory_space<hbm>>
      tpu.wait_dma2 semaphore(%run_scoped3A : memref<!tpu.dma_semaphore, #tpu.memory_space<semaphore_mem>>) src(%arg7 : memref<512x128xi32, #tpu.memory_space<vmem>>) dst(%dma_wait3A_611 : memref<512x128xi32, #tpu.memory_space<hbm>>)
      tpu.yield
    }) : () -> ()
    return
  }
}

module attributes {stable_mosaic.version = 14 : i64} {
  func.func @_relayout_body(%arg0: i32, %arg1: memref<32x65536xf32, #tpu.memory_space<vmem>>, %arg2: memref<8192x128xi32, #tpu.memory_space<vmem>>) attributes {dimension_semantics = [#tpu.dimension_semantics<arbitrary>], iteration_bounds = array<i64: 16>, scalar_prefetch = 0 : i64, scratch_operands = 0 : i64, tpu.core_type = #tpu.core_type<tc>, window_params = [{transform_indices = @transform_0, window_bounds = array<i64: 32, 65536>}, {transform_indices = @transform_1, window_bounds = array<i64: 8192, 128>}]} {
    %get3A = arith.constant 0 : index
    %get3A_0 = arith.constant 0 : index
    %get3A_1 = vector.load %arg1[%get3A, %get3A_0] : memref<32x65536xf32, #tpu.memory_space<vmem>>, vector<32x65536xf32>
    %slice3A = vector.extract_strided_slice %get3A_1 {offsets = [0, 0], sizes = [32, 16384], strides = [1, 1]} : vector<32x65536xf32> to vector<32x16384xf32>
    %slice3A_2 = vector.extract_strided_slice %get3A_1 {offsets = [0, 16384], sizes = [32, 16384], strides = [1, 1]} : vector<32x65536xf32> to vector<32x16384xf32>
    %slice3A_3 = vector.extract_strided_slice %get3A_1 {offsets = [0, 32768], sizes = [32, 16384], strides = [1, 1]} : vector<32x65536xf32> to vector<32x16384xf32>
    %slice3A_4 = vector.extract_strided_slice %get3A_1 {offsets = [0, 49152], sizes = [32, 16384], strides = [1, 1]} : vector<32x65536xf32> to vector<32x16384xf32>
    %concatenate3A = tpu.concatenate %slice3A, %slice3A_2, %slice3A_3, %slice3A_4 in 0 : vector<32x16384xf32>, vector<32x16384xf32>, vector<32x16384xf32>, vector<32x16384xf32> -> vector<128x16384xf32>
    %bitcast_convert_type3A = tpu.bitcast %concatenate3A : vector<128x16384xf32> -> vector<128x16384xi32>
    %add3A = arith.constant 32767 : i32
    %add3A_5 = vector.broadcast %add3A : i32 to vector<128x16384xi32>
    %add3A_6 = arith.addi %bitcast_convert_type3A, %add3A_5 : vector<128x16384xi32>
    %shift_right_arithmetic3A = arith.constant 16 : i32
    %shift_right_arithmetic3A_7 = vector.broadcast %shift_right_arithmetic3A : i32 to vector<128x16384xi32>
    %shift_right_arithmetic3A_8 = arith.shrsi %bitcast_convert_type3A, %shift_right_arithmetic3A_7 : vector<128x16384xi32>
    %and3A = arith.constant 1 : i32
    %and3A_9 = vector.broadcast %and3A : i32 to vector<128x16384xi32>
    %and3A_10 = arith.andi %shift_right_arithmetic3A_8, %and3A_9 : vector<128x16384xi32>
    %add3A_11 = arith.addi %add3A_6, %and3A_10 : vector<128x16384xi32>
    %slice3A_12 = vector.extract_strided_slice %add3A_11 {offsets = [0, 0], sizes = [128, 8192], strides = [1, 1]} : vector<128x16384xi32> to vector<128x8192xi32>
    %slice3A_13 = vector.extract_strided_slice %add3A_11 {offsets = [0, 8192], sizes = [128, 8192], strides = [1, 1]} : vector<128x16384xi32> to vector<128x8192xi32>
    %shift_right_arithmetic3A_14 = arith.constant 16 : i32
    %shift_right_arithmetic3A_15 = vector.broadcast %shift_right_arithmetic3A_14 : i32 to vector<128x8192xi32>
    %shift_right_arithmetic3A_16 = arith.shrsi %slice3A_12, %shift_right_arithmetic3A_15 : vector<128x8192xi32>
    %and3A_17 = arith.constant 65535 : i32
    %and3A_18 = vector.broadcast %and3A_17 : i32 to vector<128x8192xi32>
    %and3A_19 = arith.andi %shift_right_arithmetic3A_16, %and3A_18 : vector<128x8192xi32>
    %and3A_20 = arith.constant -65536 : i32
    %and3A_21 = vector.broadcast %and3A_20 : i32 to vector<128x8192xi32>
    %and3A_22 = arith.andi %slice3A_13, %and3A_21 : vector<128x8192xi32>
    %or3A = arith.ori %and3A_19, %and3A_22 : vector<128x8192xi32>
    %transpose3A = tpu.transpose %or3A, [1, 0] : vector<128x8192xi32> -> vector<8192x128xi32>
    %swap3A = arith.constant 0 : index
    %swap3A_23 = arith.constant 0 : index
    %swap3A_24 = vector.load %arg2[%swap3A, %swap3A_23] : memref<8192x128xi32, #tpu.memory_space<vmem>>, vector<8192x128xi32>
    tpu.vector_store %arg2[%swap3A, %swap3A_23], %transpose3A {strides = array<i32>} : memref<8192x128xi32, #tpu.memory_space<vmem>>, vector<8192x128xi32>,
    return
  }
  func.func @transform_0(%arg0: i32) -> (i32, i32) {
    %c0_i32 = arith.constant 0 : i32
    %c0_i32_0 = arith.constant 0 : i32
    return %c0_i32, %arg0 : i32, i32
  }
  func.func @transform_1(%arg0: i32) -> (i32, i32) {
    %c0_i32 = arith.constant 0 : i32
    %c0_i32_0 = arith.constant 0 : i32
    return %arg0, %c0_i32 : i32, i32
  }
}

module attributes {stable_mosaic.version = 14 : i64} {
  func.func @_logits_body(%arg0: i32, %arg1: memref<2048x128xi32, #tpu.memory_space<vmem>>, %arg2: memref<1x1x2048xi32, #tpu.memory_space<vmem>>, %arg3: memref<32x1000xf32, #tpu.memory_space<vmem>>, %arg4: memref<1000x2048xf32, #tpu.memory_space<vmem>>) attributes {dimension_semantics = [#tpu.dimension_semantics<arbitrary>], iteration_bounds = array<i64: 8>, scalar_prefetch = 0 : i64, scratch_operands = 0 : i64, tpu.core_type = #tpu.core_type<tc>, window_params = [{transform_indices = @transform_0, window_bounds = array<i64: 2048, 128>}, {transform_indices = @transform_1, window_bounds = array<i64: 1, 1, 2048>}, {pipeline_mode = #tpu.pipeline_mode<synchronous>, transform_indices = @transform_2, window_bounds = array<i64: 32, 1000>}, {transform_indices = @transform_3, window_bounds = array<i64: 1000, 2048>}]} {
    %get3A = arith.constant 0 : index
    %get3A_0 = arith.constant 0 : index
    %get3A_1 = vector.load %arg1[%get3A, %get3A_0] : memref<2048x128xi32, #tpu.memory_space<vmem>>, vector<2048x128xi32>
    %shift_left3A = arith.constant 16 : i32
    %shift_left3A_2 = vector.broadcast %shift_left3A : i32 to vector<2048x128xi32>
    %shift_left3A_3 = arith.shli %get3A_1, %shift_left3A_2 : vector<2048x128xi32>
    %bitcast_convert_type3A = tpu.bitcast %shift_left3A_3 : vector<2048x128xi32> -> vector<2048x128xf32>
    %and3A = arith.constant -65536 : i32
    %and3A_4 = vector.broadcast %and3A : i32 to vector<2048x128xi32>
    %and3A_5 = arith.andi %get3A_1, %and3A_4 : vector<2048x128xi32>
    %bitcast_convert_type3A_6 = tpu.bitcast %and3A_5 : vector<2048x128xi32> -> vector<2048x128xf32>
    %get3A_7 = arith.constant 0 : index
    %get3A_8 = arith.constant 0 : index
    %get3A_9 = arith.constant 0 : index
    %get3A_10 = vector.load %arg2[%get3A_7, %get3A_8, %get3A_9] : memref<1x1x2048xi32, #tpu.memory_space<vmem>>, vector<1x1x2048xi32>
    %reshape3A = vector.shape_cast %get3A_10 : vector<1x1x2048xi32> to vector<1x2048xi32>
    %transpose3A = tpu.transpose %reshape3A, [1, 0] : vector<1x2048xi32> -> vector<2048x1xi32>
    %shift_right_arithmetic3A = arith.constant 14 : i32
    %shift_right_arithmetic3A_11 = vector.broadcast %shift_right_arithmetic3A : i32 to vector<2048x1xi32>
    %shift_right_arithmetic3A_12 = arith.shrsi %transpose3A, %shift_right_arithmetic3A_11 : vector<2048x1xi32>
    %and3A_13 = arith.constant 3 : i32
    %and3A_14 = vector.broadcast %and3A_13 : i32 to vector<2048x1xi32>
    %and3A_15 = arith.andi %shift_right_arithmetic3A_12, %and3A_14 : vector<2048x1xi32>
    %shift_right_arithmetic3A_16 = arith.constant 13 : i32
    %shift_right_arithmetic3A_17 = vector.broadcast %shift_right_arithmetic3A_16 : i32 to vector<2048x1xi32>
    %shift_right_arithmetic3A_18 = arith.shrsi %transpose3A, %shift_right_arithmetic3A_17 : vector<2048x1xi32>
    %and3A_19 = arith.constant 1 : i32
    %and3A_20 = vector.broadcast %and3A_19 : i32 to vector<2048x1xi32>
    %and3A_21 = arith.andi %shift_right_arithmetic3A_18, %and3A_20 : vector<2048x1xi32>
    %eq3A = arith.constant 1 : i32
    %eq3A_22 = vector.broadcast %eq3A : i32 to vector<2048x1xi32>
    %eq3A_23 = arith.cmpi eq, %and3A_21, %eq3A_22 : vector<2048x1xi32>
    %broadcast_in_dim3A = arith.constant 0.000000e+00 : f32
    %broadcast_in_dim3A_24 = vector.broadcast %broadcast_in_dim3A : f32 to vector<2048x32xf32>
    %slice3A = vector.extract_strided_slice %bitcast_convert_type3A_6 {offsets = [0, 0], sizes = [2048, 32], strides = [1, 1]} : vector<2048x128xf32> to vector<2048x32xf32>
    %slice3A_25 = vector.extract_strided_slice %bitcast_convert_type3A {offsets = [0, 0], sizes = [2048, 32], strides = [1, 1]} : vector<2048x128xf32> to vector<2048x32xf32>
    %broadcast_in_dim3A_26 = vector.shape_cast %eq3A_23 : vector<2048x1xi1> to vector<2048x1xi1>
    %broadcast_in_dim3A_27 = vector.broadcast %broadcast_in_dim3A_26 : vector<2048x1xi1> to vector<2048x32xi1>
    %select_n3A = arith.select %broadcast_in_dim3A_27, %slice3A, %slice3A_25 : vector<2048x32xi1>, vector<2048x32xf32>
    %eq3A_28 = arith.constant 0 : i32
    %eq3A_29 = vector.broadcast %eq3A_28 : i32 to vector<2048x1xi32>
    %eq3A_30 = arith.cmpi eq, %and3A_15, %eq3A_29 : vector<2048x1xi32>
    %jit3A = arith.constant 0.000000e+00 : f32
    %broadcast_in_dim3A_31 = vector.shape_cast %eq3A_30 : vector<2048x1xi1> to vector<2048x1xi1>
    %broadcast_in_dim3A_32 = vector.broadcast %broadcast_in_dim3A_31 : vector<2048x1xi1> to vector<2048x32xi1>
    %broadcast_in_dim3A_33 = vector.broadcast %jit3A : f32 to vector<2048x32xf32>
    %select_n3A_34 = arith.select %broadcast_in_dim3A_32, %select_n3A, %broadcast_in_dim3A_33 : vector<2048x32xi1>, vector<2048x32xf32>
    %add3A = arith.addf %broadcast_in_dim3A_24, %select_n3A_34 : vector<2048x32xf32>
    %slice3A_35 = vector.extract_strided_slice %bitcast_convert_type3A_6 {offsets = [0, 32], sizes = [2048, 32], strides = [1, 1]} : vector<2048x128xf32> to vector<2048x32xf32>
    %slice3A_36 = vector.extract_strided_slice %bitcast_convert_type3A {offsets = [0, 32], sizes = [2048, 32], strides = [1, 1]} : vector<2048x128xf32> to vector<2048x32xf32>
    %broadcast_in_dim3A_37 = vector.shape_cast %eq3A_23 : vector<2048x1xi1> to vector<2048x1xi1>
    %broadcast_in_dim3A_38 = vector.broadcast %broadcast_in_dim3A_37 : vector<2048x1xi1> to vector<2048x32xi1>
    %select_n3A_39 = arith.select %broadcast_in_dim3A_38, %slice3A_35, %slice3A_36 : vector<2048x32xi1>, vector<2048x32xf32>
    %eq3A_40 = arith.constant 1 : i32
    %eq3A_41 = vector.broadcast %eq3A_40 : i32 to vector<2048x1xi32>
    %eq3A_42 = arith.cmpi eq, %and3A_15, %eq3A_41 : vector<2048x1xi32>
    %jit3A_43 = arith.constant 0.000000e+00 : f32
    %broadcast_in_dim3A_44 = vector.shape_cast %eq3A_42 : vector<2048x1xi1> to vector<2048x1xi1>
    %broadcast_in_dim3A_45 = vector.broadcast %broadcast_in_dim3A_44 : vector<2048x1xi1> to vector<2048x32xi1>
    %broadcast_in_dim3A_46 = vector.broadcast %jit3A_43 : f32 to vector<2048x32xf32>
    %select_n3A_47 = arith.select %broadcast_in_dim3A_45, %select_n3A_39, %broadcast_in_dim3A_46 : vector<2048x32xi1>, vector<2048x32xf32>
    %add3A_48 = arith.addf %add3A, %select_n3A_47 : vector<2048x32xf32>
    %slice3A_49 = vector.extract_strided_slice %bitcast_convert_type3A_6 {offsets = [0, 64], sizes = [2048, 32], strides = [1, 1]} : vector<2048x128xf32> to vector<2048x32xf32>
    %slice3A_50 = vector.extract_strided_slice %bitcast_convert_type3A {offsets = [0, 64], sizes = [2048, 32], strides = [1, 1]} : vector<2048x128xf32> to vector<2048x32xf32>
    %broadcast_in_dim3A_51 = vector.shape_cast %eq3A_23 : vector<2048x1xi1> to vector<2048x1xi1>
    %broadcast_in_dim3A_52 = vector.broadcast %broadcast_in_dim3A_51 : vector<2048x1xi1> to vector<2048x32xi1>
    %select_n3A_53 = arith.select %broadcast_in_dim3A_52, %slice3A_49, %slice3A_50 : vector<2048x32xi1>, vector<2048x32xf32>
    %eq3A_54 = arith.constant 2 : i32
    %eq3A_55 = vector.broadcast %eq3A_54 : i32 to vector<2048x1xi32>
    %eq3A_56 = arith.cmpi eq, %and3A_15, %eq3A_55 : vector<2048x1xi32>
    %jit3A_57 = arith.constant 0.000000e+00 : f32
    %broadcast_in_dim3A_58 = vector.shape_cast %eq3A_56 : vector<2048x1xi1> to vector<2048x1xi1>
    %broadcast_in_dim3A_59 = vector.broadcast %broadcast_in_dim3A_58 : vector<2048x1xi1> to vector<2048x32xi1>
    %broadcast_in_dim3A_60 = vector.broadcast %jit3A_57 : f32 to vector<2048x32xf32>
    %select_n3A_61 = arith.select %broadcast_in_dim3A_59, %select_n3A_53, %broadcast_in_dim3A_60 : vector<2048x32xi1>, vector<2048x32xf32>
    %add3A_62 = arith.addf %add3A_48, %select_n3A_61 : vector<2048x32xf32>
    %slice3A_63 = vector.extract_strided_slice %bitcast_convert_type3A_6 {offsets = [0, 96], sizes = [2048, 32], strides = [1, 1]} : vector<2048x128xf32> to vector<2048x32xf32>
    %slice3A_64 = vector.extract_strided_slice %bitcast_convert_type3A {offsets = [0, 96], sizes = [2048, 32], strides = [1, 1]} : vector<2048x128xf32> to vector<2048x32xf32>
    %broadcast_in_dim3A_65 = vector.shape_cast %eq3A_23 : vector<2048x1xi1> to vector<2048x1xi1>
    %broadcast_in_dim3A_66 = vector.broadcast %broadcast_in_dim3A_65 : vector<2048x1xi1> to vector<2048x32xi1>
    %select_n3A_67 = arith.select %broadcast_in_dim3A_66, %slice3A_63, %slice3A_64 : vector<2048x32xi1>, vector<2048x32xf32>
    %eq3A_68 = arith.constant 3 : i32
    %eq3A_69 = vector.broadcast %eq3A_68 : i32 to vector<2048x1xi32>
    %eq3A_70 = arith.cmpi eq, %and3A_15, %eq3A_69 : vector<2048x1xi32>
    %jit3A_71 = arith.constant 0.000000e+00 : f32
    %broadcast_in_dim3A_72 = vector.shape_cast %eq3A_70 : vector<2048x1xi1> to vector<2048x1xi1>
    %broadcast_in_dim3A_73 = vector.broadcast %broadcast_in_dim3A_72 : vector<2048x1xi1> to vector<2048x32xi1>
    %broadcast_in_dim3A_74 = vector.broadcast %jit3A_71 : f32 to vector<2048x32xf32>
    %select_n3A_75 = arith.select %broadcast_in_dim3A_73, %select_n3A_67, %broadcast_in_dim3A_74 : vector<2048x32xi1>, vector<2048x32xf32>
    %add3A_76 = arith.addf %add3A_62, %select_n3A_75 : vector<2048x32xf32>
    %get3A_77 = arith.constant 0 : index
    %get3A_78 = arith.constant 0 : index
    %get3A_79 = vector.load %arg3[%get3A_77, %get3A_78] : memref<32x1000xf32, #tpu.memory_space<vmem>>, vector<32x1000xf32>
    %dot_general3A = arith.constant dense<0.000000e+00> : vector<1000x2048xf32>
    %dot_general3A_80 = tpu.matmul %get3A_79, %add3A_76, %dot_general3A {dimension_numbers = #tpu.dot_dimension_numbers<[0], [1], [1], [0], [0, 1, 1, 0], [], []>, transpose_lhs_hint = false} : vector<32x1000xf32>, vector<2048x32xf32>, vector<1000x2048xf32> -> vector<1000x2048xf32>
    %exp3A = math.exp %dot_general3A_80 : vector<1000x2048xf32>
    %reduce_sum3A = arith.constant dense<0.000000e+00> : vector<2048xf32>
    %reduce_sum3A_81 = vector.multi_reduction <add>, %exp3A, %reduce_sum3A [0] : vector<1000x2048xf32> to vector<2048xf32>
    %broadcast_in_dim3A_82 = vector.shape_cast %reduce_sum3A_81 : vector<2048xf32> to vector<1x2048xf32>
    %log3A = math.log %broadcast_in_dim3A_82 : vector<1x2048xf32>
    %sub3A = vector.broadcast %log3A : vector<1x2048xf32> to vector<1000x2048xf32>
    %sub3A_83 = arith.subf %dot_general3A_80, %sub3A : vector<1000x2048xf32>
    %swap3A = arith.constant 0 : index
    %swap3A_84 = arith.constant 0 : index
    %swap3A_85 = vector.load %arg4[%swap3A, %swap3A_84] : memref<1000x2048xf32, #tpu.memory_space<vmem>>, vector<1000x2048xf32>
    tpu.vector_store %arg4[%swap3A, %swap3A_84], %sub3A_83 {strides = array<i32>} : memref<1000x2048xf32, #tpu.memory_space<vmem>>, vector<1000x2048xf32>,
    return
  }
  func.func @transform_0(%arg0: i32) -> (i32, i32) {
    %c0_i32 = arith.constant 0 : i32
    %c0_i32_0 = arith.constant 0 : i32
    return %arg0, %c0_i32 : i32, i32
  }
  func.func @transform_1(%arg0: i32) -> (i32, i32, i32) {
    %c0_i32 = arith.constant 0 : i32
    %c0_i32_0 = arith.constant 0 : i32
    %c0_i32_1 = arith.constant 0 : i32
    return %arg0, %c0_i32, %c0_i32_0 : i32, i32, i32
  }
  func.func @transform_2(%arg0: i32) -> (i32, i32) {
    %c0_i32 = arith.constant 0 : i32
    %c0_i32_0 = arith.constant 0 : i32
    %c0_i32_1 = arith.constant 0 : i32
    return %c0_i32, %c0_i32_0 : i32, i32
  }
  func.func @transform_3(%arg0: i32) -> (i32, i32) {
    %c0_i32 = arith.constant 0 : i32
    %c0_i32_0 = arith.constant 0 : i32
    return %c0_i32, %arg0 : i32, i32
  }
}

</mosaic_0001>

<sc_bundles>
// kernel: kernel.5.cloned.1.call-start
scs
__scs_entry_jumppad:
0x0: {  	(pc) =	sbr.rel $0x88, $3  }
0x1: {  	(tag) =	ssettag $0x0;
	lr =	simm.s32 $0x1  }
0x2: {  	[smem:$0x3F9E] =	sst lr;
	_ =	strace $0xD0000000  }
0x3: {  	_ = 	snop  }
0x4: {  	_ = 	snop  }
0x5: {  	_ = 	snop  }
0x6: {  	_ = 	snop  }
0x7: {  	_ = 	snop  }
__scs_overlays_trampoline_lowered:
0x8: {  	[smem:$0x3FAD] =	sst s0  }
0x9: {  	[smem:$0x3FAE] =	sst s1  }
0xa: {  	[smem:$0x3FAF] =	sst s2  }
0xb: {  	[smem:$0x3FB0] =	sst s3  }
0xc: {  	[smem:$0x3FB1] =	sst s4  }
0xd: {  	[smem:$0x3FB2] =	sst s5  }
0xe: {  	[smem:$0x3FB3] =	sst s6  }
0xf: {  	[smem:$0x3FB4] =	sst s7  }
0x10: {  	[smem:$0x3FB5] =	sst s8  }
0x11: {  	[smem:$0x3FB6] =	sst s9;
	s0 =	simm.s32 @!p0 $0x0  }
0x12: {  	s1 =	sld [smem:$0x3F9C];
	s0 =	simm.s32 @p0 $0x1  }
0x13: {  	[smem:$0x3FB7] =	sst s0;
	s0 =	simm.s32 @!p1 $0x0  }
0x14: {  	s2 =	sld [smem:$0x3F9B];
	s0 =	simm.s32 @p1 $0x1  }
0x15: {  	[smem:$0x3FB8] =	sst s0;
	s0 =	simm.s32 @!p2 $0x0  }
0x16: {  	s3 =	sld [smem:$0x3FDB];
	s0 =	simm.s32 @p2 $0x1  }
0x17: {  	s4 =	simm.s32 $0x1BF5;
	[smem:$0x3FBA] =	sst s0  }
0x18: {  	s0 =	sld [smem:$0x3F9D];
	_ =	swait.ge [sflag:s4], $0x0  }
0x19: {  	s7 =	sld [smem:$0x3F9E]  }
0x1a: {  	s8 =	sadd.s32 $0xFFFFE003, lr  }
0x1b: {  	s9 =	sadd.s32 $0xFFFFFEF7, lr;
	s5 =	simm.s32 $0xFFFFFFFF;
	p2 =	slt.u32 s8, $0xFFFFF086  }
0x1c: {  	p1 =	slt.u32 s9, $0xF7A;
	s5 =	simm.s32 @!p2 $0x0  }
0x1d: {  	s5 =	simm.s32 @p1 $0x1;
	p0 =	seq.s32 s7, s2  }
0x1e: {  	s7 =	smul.u32 @!p0 $0xF7A, s2;
	p2 =	seq.s32 @!p0 s5, $0x0  }
0x1f: {  	s9 =	smul.u32 $0xF7A, s1;
	s8 =	simm.s32 @!p0 $0x1BF5;
	p2 =	por !p2, p0  }
0x20: {  	[sflag:s8] =	ssyncset.s32 @!p0 $0xFFFFF086;
	s6 =	sadd.s32 @!p0 s3, s7;
	s7 =	simm.s32 @!p0 $0x108  }
0x21: {  	s3 =	sadd.s32 s3, s9;
	s6 =	sadd.s32 @!p0 $0x88, s6;
	s7 =	simm.s32 @p2 $0x1082  }
0x22: {  	[simem:s7], [sflag:s8] =	dma.local @!p0 [hbm:s6], $0xF7A  }
0x23: {  	s9 =	sor.u32 $0xD0000000, s2;
	s6 =	simm.s32 $0x108;
	_ =	swait.ge @!p0 [sflag:s8], $0x0  }
0x24: {  	s3 =	sadd.s32 $0x88, s3;
	s6 =	simm.s32 @!p1 $0x1082;
	[sflag:s4] =	ssyncset.s32 $0xFFFFF086  }
0x25: {  	[simem:s6], [sflag:s4] =	dma.local [hbm:s3], $0xF7A  }
0x26: {  	[smem:$0x3F9E] =	sst s1;
	(tag) =	ssettag s2;
	_ =	strace s9  }
0x27: {  	s1 =	sld [smem:$0x3FAE]  }
0x28: {  	s2 =	sld [smem:$0x3FAF]  }
0x29: {  	s4 =	sld [smem:$0x3FB1]  }
0x2a: {  	p0 =	seq.s32 s5, $0x0;
	s5 =	sld [smem:$0x3FB2]  }
0x2b: {  	s6 =	sld [smem:$0x3FB3]  }
0x2c: {  	s7 =	sld [smem:$0x3FB4]  }
0x2d: {  	s3 =	simm.s32 $0x108;
	s8 =	sld [smem:$0x3FB5]  }
0x2e: {  	s3 =	simm.s32 @!p0 $0x1082;
	s9 =	sld [smem:$0x3FB6]  }
0x2f: {  	lr =	sadd.s32 s0, s3;
	s0 =	sld [smem:$0x3FAD]  }
0x30: {  	s3 =	sld [smem:$0x3FB0]  }
0x31: {  	[smem:$0x3FB9] =	sst s10  }
0x32: {  	s10 =	sld [smem:$0x3FB7];
	_ =	sdelay $0x3  }
0x33: {  	p0 =	seq.s32 s10, $0x1;
	s10 =	sld [smem:$0x3FB9];
	_ =	sdelay $0x3  }
0x34: {  	[smem:$0x3FB9] =	sst s10  }
0x35: {  	s10 =	sld [smem:$0x3FB8];
	_ =	sdelay $0x3  }
0x36: {  	p1 =	seq.s32 s10, $0x1;
	s10 =	sld [smem:$0x3FB9];
	_ =	sdelay $0x3  }
0x37: {  	[smem:$0x3FB9] =	sst s10  }
0x38: {  	s10 =	sld [smem:$0x3FBA]  }
0x39: {  	_ = 	snop;
	(pc) =	sbr.ind lr, $3  }
0x3a: {  	_ = 	snop  }
0x3b: {  	_ = 	snop  }
0x3c: {  	p2 =	seq.s32 s10, $0x1;
	s10 =	sld [smem:$0x3FB9]  }
0x3d: {  	_ =	shalt  }
0x3e: {  	_ =	shalt  }
0x3f: {  	_ =	shalt  }
0x40: {  	_ =	shalt  }
0x41: {  	_ =	shalt  }
0x42: {  	_ =	shalt  }
0x43: {  	_ =	shalt  }
0x44: {  	_ =	shalt  }
0x45: {  	_ =	shalt  }
0x46: {  	_ =	shalt  }
0x47: {  	_ =	shalt  }
0x48: {  	_ =	shalt  }
0x49: {  	_ =	shalt  }
0x4a: {  	_ =	shalt  }
0x4b: {  	_ =	shalt  }
0x4c: {  	_ =	shalt  }
0x4d: {  	_ =	shalt  }
0x4e: {  	_ =	shalt  }
0x4f: {  	_ =	shalt  }
0x50: {  	_ =	shalt  }
0x51: {  	_ =	shalt  }
0x52: {  	_ =	shalt  }
0x53: {  	_ =	shalt  }
0x54: {  	_ =	shalt  }
0x55: {  	_ =	shalt  }
0x56: {  	_ =	shalt  }
0x57: {  	_ =	shalt  }
0x58: {  	_ =	shalt  }
0x59: {  	_ =	shalt  }
0x5a: {  	_ =	shalt  }
0x5b: {  	_ =	shalt  }
0x5c: {  	_ =	shalt  }
0x5d: {  	_ =	shalt  }
0x5e: {  	_ =	shalt  }
0x5f: {  	_ =	shalt  }
0x60: {  	_ =	shalt  }
0x61: {  	_ =	shalt  }
0x62: {  	_ =	shalt  }
0x63: {  	_ =	shalt  }
0x64: {  	_ =	shalt  }
0x65: {  	_ =	shalt  }
0x66: {  	_ =	shalt  }
0x67: {  	_ =	shalt  }
0x68: {  	_ =	shalt  }
0x69: {  	_ =	shalt  }
0x6a: {  	_ =	shalt  }
0x6b: {  	_ =	shalt  }
0x6c: {  	_ =	shalt  }
0x6d: {  	_ =	shalt  }
0x6e: {  	_ =	shalt  }
0x6f: {  	_ =	shalt  }
0x70: {  	_ =	shalt  }
0x71: {  	_ =	shalt  }
0x72: {  	_ =	shalt  }
0x73: {  	_ =	shalt  }
0x74: {  	_ =	shalt  }
0x75: {  	_ =	shalt  }
0x76: {  	_ =	shalt  }
0x77: {  	_ =	shalt  }
0x78: {  	_ =	shalt  }
0x79: {  	_ =	shalt  }
0x7a: {  	_ =	shalt  }
0x7b: {  	_ =	shalt  }
0x7c: {  	_ =	shalt  }
0x7d: {  	_ =	shalt  }
0x7e: {  	_ =	shalt  }
0x7f: {  	_ =	shalt  }
0x80: {  	_ =	shalt  }
0x81: {  	_ =	shalt  }
0x82: {  	_ =	shalt  }
0x83: {  	_ =	shalt  }
0x84: {  	_ =	shalt  }
0x85: {  	_ =	shalt  }
0x86: {  	_ =	shalt  }
0x87: {  	_ =	shalt  }
.Lfunc_end0:
.L_simem_size_0:
called_computation_lowered:
.L_overlay_start_0:
0x88: {  	s2 =	sld [smem:$0x3FD9]  }
0x89: {  	s3 =	sld [smem:$0x3FFE];
	_ =	sdelay $0x1  }
0x8a: {  	s1 =	srdreg.scid  }
0x8b: {  	s0 =	sand.u32 $0x1, s1  }
0x8c: {  	s17 =	sshll.u32 s0, $0xA;
	s2 =	sadd.s32 s3, s2  }
0x8d: {  	s2 =	sadd.s32 s2, s17  }
0x8e: {  	[smem:$0x3FC5] =	sst s2  }
0x8f: {  	_ = 	snop  }
0x90: {  	s2 =	sld [smem:$0x3FC9]  }
0x91: {  	s18 =	sld [smem:$0x3FD0];
	(tm) =	ssettm $0x1  }
0x92: {  	s4 =	sld [smem:$0x3FFB];
	_ =	sdelay $0x3  }
0x93: {  	_ =	strace s4  }
0x94: {  	s4 =	sld [smem:$0x3FFC];
	_ =	sdelay $0x3  }
0x95: {  	_ =	strace s4  }
0x96: {  	s4 =	sld [smem:$0x3FFD];
	_ =	sdelay $0x3  }
0x97: {  	_ =	strace s4  }
0x98: {  	_ =	strace $0x8FFFFFFF  }
0x99: {  	s19 =	sld [smem:$0x3FDB];
	_ =	sdelay $0x1  }
0x9a: {  	s5 =	simm.s32 $_scs_section_size  }
0x9b: {  	s6 =	simm.s32 $_size__tile_overlayer_lowered;
	s7 =	simm.s32 $_tile_overlayer_lowered  }
0x9c: {  	s22 =	simm.s32 $0x1BFF;
	s21 =	sshll.u32 s7, $0x1;
	s4 =	sadd.s32 s5, s19  }
0x9d: {  	s8 =	simm.s32 $0x0;
	s20 =	sshll.u32 s6, $0x1;
	s6 =	sadd.s32 s21, s4  }
0x9e: {  	[timem:s8], [sflag:s22] =	dma.local [hbm:s6], s20  }
0x9f: {  	_ =	swait.ge [sflag:s22], s20  }
0xa0: {  	s5 =	ssub.s32 $0x0, s20;
	[sflag:s22] =	ssyncset.done $0x0  }
0xa1: {  	[sflag:s22] =	ssyncadd.s32 s5;
	_ =	sdelay $0x1  }
0xa2: {  	s23 =	simm.s32 $0x1B8B  }
0xa3: {  	_ =	swait.ge [sflag:s23], $0x1  }
0xa4: {  	[sflag:s23] =	ssyncset.done $0x0  }
0xa5: {  	s25 =	simm.s32 $0x1B8E;
	s24 =	sld [smem:$0x3FFE];
	[sflag:s23] =	ssyncadd.s32 $0xFFFFFFFF  }
0xa6: {  	s26 =	simm.s32 $execute0_lowered;
	[smem:$0x3FD2] =	sst s25  }
0xa7: {  	s6 =	sshll.u32 s26, $0x1;
	_ =	strace $0x80000046;
	[dreg:$0x1] =	wrdreg $0xFFFFFFFF  }
0xa8: {  	s28 =	simm.s32 $_size_execute0_lowered;
	s4 =	sadd.s32 s4, s6;
	[dreg:$0x0] =	wrdreg $0x0  }
0xa9: {  	s6 =	sshll.u32 s28, $0x1;
	[dreg:$0x2] =	wrdreg s4  }
0xaa: {  	[dreg:$0x3] =	wrdreg s6  }
0xab: {  	[dreg:$0x4] =	wrdreg $0xC0  }
0xac: {  	_ =	task [dreg:s8], $0x5FFFF  }
0xad: {  	[dreg:$0x1] =	wrdreg $0xFFFFFFFF  }
0xae: {  	[dreg:$0x0] =	wrdreg $0x60  }
0xaf: {  	[dreg:$0x2] =	wrdreg s24  }
0xb0: {  	[dreg:$0x3] =	wrdreg s2  }
0xb1: {  	[dreg:$0x4] =	wrdreg s18  }
0xb2: {  	[dreg:$0x5] =	wrdreg $0x9  }
0xb3: {  	_ =	task.clear_ibuf [dreg:s8], $0x6FFFF;
	_ =	strace $0x90000046  }
0xb4: {  	s29 =	simm.s32 $0x9;
	_ =	strace $0x80000048  }
0xb5: {  	_ =	swait.ge [sflag:s29], $0x1  }
0xb6: {  	[sflag:s29] =	ssyncadd.s32 $0xFFFFFFFF  }
0xb7: {  	_ =	strace $0x90000048  }
0xb8: {  	_ =	sfence  }
0xb9: {  	s30 =	sld [smem:$0x0];
	_ =	sdelay $0x2  }
0xba: {  	s31 =	sshll.u32 s1, $0xD;
	s1 =	sshrl.u32 s1, $0x2  }
0xbb: {  	s3 =	sand.u32 $0x4000, s31;
	s1 =	sadd.s32 s1, s30  }
0xbc: {  	s0 =	sor.u32 s3, s0;
	s1 =	sshll.u32 s1, $0x11  }
0xbd: {  	s0 =	sor.u32 s1, s0  }
0xbe: {  	s0 =	sadd.s32 $0x8F2B, s0  }
0xbf: {  	[sflag:s0] =	ssyncadd.remote.s32 $0x1  }
0xc0: {  	_ =	sfence.sel $0xFFFF  }
0xc1: {  	[dreg:$0x0] =	wrdreg $0xFFFFFFFF;
	(pc) =	sbr.abs _section_cstart, $3  }
0xc2: {  	[dreg:$0x1] =	wrdreg $0xFFFFFFFF  }
0xc3: {  	_ =	task.clear_ibuf [dreg:s8], $0x2FFFF;
	_ =	strace $0x9FFFFFFF  }
0xc4: {  	(tm) =	ssettm $0x7FFFFFFF  }
0xc5: {  	_ =	shalt  }
tec
execute0_lowered:
.L_overlay_start_1:
0x0: {  	(tag) =	ssettag $0x1  }
0x1: {  	s3 =	rddreg [dreg:$0x0]  }
0x2: {  	s4 =	rddreg [dreg:$0x1]  }
0x3: {  	s6 =	rddreg [dreg:$0x2];
	s5 =	srdreg.scid  }
0x4: {  	s0 =	rddreg [dreg:$0x3];
	s2 =	simm.s32 $0x0;
	s7 =	sand.u32 $0x1, s5  }
0x5: {  	s1 =	stileid.u32;
	s10 =	simm.s32 $0x280;
	s29 =	ssub.s32 $0x2, s7  }
0x6: {  	s11 =	simm.s32 $0x4400;
	s12 =	simm.s32 $0x300;
	s31 =	sshrl.u32 s29, $0x1  }
0x7: {  	s13 =	simm.s32 $0x8400;
	s5 =	sadd.s32 $0xA00, s3;
	s3 =	ssub.s32 s29, s31  }
0x8: {  	s14 =	simm.s32 $0x380;
	s15 =	simm.s32 $0xC400;
	s17 =	smax.u32 s3, $0x1  }
0x9: {  	s8 =	sshll.u32 s1, $0xA;
	s9 =	sshll.u32 s7, $0x9;
	p1 =	sne.s32 s17, $0x1  }
.Ltmp0:
0xa: {  	[smem:$0x7FF] =	sst s2;
	s30 =	sor.u32 s9, s8;
	(pc) =	sbr.rel @!p1 .LBB2_3-.Ltmp0, $4  }
0xb: {  	p0 =	por $0x0, $0x0;
	_ =	strace $0x80000047;
	s9 =	sshrl.u32 s30, $0x3  }
0xc: {  	s8 =	simm.s32 $0x80;
	s7 =	sshll.u32 s30, $0x4;
	s16 =	sadd.s32 s4, s9  }
0xd: {  	s4 =	sadd.s32 s6, s7;
	s3 =	simm.s32 $0x2;
	s9 =	simm.s32 $0x200  }
0xe: {  	s6 =	simm.s32 $0x400;
	s7 =	simm.s32 $0x1;
	s17 =	sadd.s32 $0xFFFFFFFF, s17  }
0xf: {  	[tilespmem:s2], [sflag:$0x2] =	stream.linear.gather [hbm4b:s16+s2], $0x200, $0x38;
	[tilespmem:$0x10400] =	vst v63  }
0x10: {  	_ =	swait.ge [sflag:s3], $0x200  }
0x11: {  	[sflag:s3] =	ssyncset.done $0x0  }
0x12: {  	[sflag:s3] =	ssyncadd.s32 $0xFFFFFE00  }
0x13: {  	v0 =	vld [tilespmem:$0x190]  }
0x14: {  	v1 =	vld [tilespmem:$0x1A0]  }
0x15: {  	v2 =	vld [tilespmem:$0x140]  }
0x16: {  	v3 =	vld [tilespmem:$0x1E0]  }
0x17: {  	v4 =	vld [tilespmem:$0x1D0]  }
0x18: {  	v7 =	vld [tilespmem:$0x1F0]  }
0x19: {  	v8 =	vld [tilespmem:$0x80]  }
0x1a: {  	v35 =	vld [tilespmem:$0x1B0]  }
0x1b: {  	v11 =	vld [tilespmem:$0x30]  }
0x1c: {  	v37 =	vld [tilespmem:$0x70]  }
0x1d: {  	v38 =	vld [tilespmem:$0x20]  }
0x1e: {  	v15 =	vld [tilespmem:$0x60]  }
0x1f: {  	v39 =	vld [tilespmem:$0x10]  }
0x20: {  	v17 =	vld [tilespmem:$0xB0]  }
0x21: {  	v42 =	vld [tilespmem:$0x0];
	v5 =	vshra.s32 v0, $0x3  }
0x22: {  	v43 =	vld [tilespmem:$0x40];
	v0 =	vand.u32 $0x1FFF, v0;
	v6 =	vshra.s32 v1, $0x3;
	v9 =	vand.u32 $0x1FFF, v2  }
0x23: {  	v46 =	vld [tilespmem:$0x50];
	v2 =	vshra.s32 v2, $0x3;
	v1 =	vand.u32 $0x1FFF, v1;
	v10 =	vand.u32 $0x1FFF, v3  }
0x24: {  	v51 =	vld [tilespmem:$0xC0];
	v36 =	vshra.s32 v4, $0x3;
	v3 =	vshra.s32 v3, $0x3;
	v4 =	vand.u32 $0x1FFF, v4  }
0x25: {  	v53 =	vld [tilespmem:$0xA0];
	v12 =	vshra.s32 v7, $0x3;
	v7 =	vand.u32 $0x1FFF, v7;
	v13 =	vshra.s32 v8, $0x3  }
0x26: {  	v56 =	vld [tilespmem:$0x90];
	v8 =	vand.u32 $0x1FFF, v8;
	v14 =	vand.u32 $0x1FFF, v35;
	v16 =	vshra.s32 v11, $0x3  }
0x27: {  	v59 =	vld [tilespmem:$0x110];
	v41 =	vshra.s32 v37, $0x3;
	v11 =	vand.u32 $0x1FFF, v11;
	v44 =	vshra.s32 v38, $0x3  }
0x28: {  	v45 =	vand.u32 $0x1FFF, v15;
	v47 =	vshra.s32 v39, $0x3;
	v15 =	vshra.s32 v15, $0x3  }
0x29: {  	v48 =	vand.u32 $0x1FFF, v39;
	v50 =	vand.u32 $0x1FFF, v17;
	v54 =	vshra.s32 v17, $0x3  }
0x2a: {  	v55 =	vshra.s32 v42, $0x3;
	v58 =	vshra.s32 v43, $0x3;
	v60 =	vshra.s32 v46, $0x3  }
0x2b: {  	v18 =	vld [tilespmem:$0xF0];
	v63 =	vand.u32 $0x1FFF, v51;
	v21 =	vshra.s32 v53, $0x3;
	v23 =	vshra.s32 v56, $0x3  }
0x2c: {  	v22 =	vld [tilespmem:$0xD0];
	v25 =	vand.u32 $0x1FFF, v59;
	v27 =	vand.u32 $0x1FFF, v56;
	v5 =	vand.u32 $0xFFFFE000, v5  }
0x2d: {  	v26 =	vld [tilespmem:$0x180];
	v28 =	vand.u32 $0x1FFF, v53;
	v3 =	vand.u32 $0xFFFFE000, v3;
	v0 =	vor.u32 v0, v5  }
0x2e: {  	v29 =	vshra.s32 v59, $0x3;
	v13 =	vand.u32 $0xFFFFE000, v13;
	v3 =	vor.u32 v10, v3;
	[tilespmem:$0x390] =	vst v0  }
0x2f: {  	v30 =	vshra.s32 v51, $0x3;
	v12 =	vand.u32 $0xFFFFE000, v12;
	v8 =	vor.u32 v8, v13;
	[tilespmem:$0x3E0] =	vst v3  }
0x30: {  	v32 =	vshra.s32 v18, $0x3;
	v40 =	vand.u32 $0xFFFFE000, v16;
	v7 =	vor.u32 v7, v12;
	[tilespmem:$0x280] =	vst v8  }
0x31: {  	v33 =	vshra.s32 v22, $0x3;
	v49 =	vand.u32 $0xFFFFE000, v15;
	v10 =	vor.u32 v11, v40;
	[tilespmem:$0x3F0] =	vst v7  }
0x32: {  	v39 =	vand.u32 $0x1FFF, v26;
	v34 =	vand.u32 $0xFFFFE000, v6;
	v12 =	vor.u32 v45, v49;
	[tilespmem:$0x230] =	vst v10  }
0x33: {  	v61 =	vld [tilespmem:$0x100];
	v2 =	vand.u32 $0xFFFFE000, v2;
	v6 =	vshra.s32 v35, $0x3;
	v1 =	vor.u32 v1, v34;
	[tilespmem:$0x260] =	vst v12  }
0x34: {  	v16 =	vand.u32 $0xFFFFE000, v41;
	v2 =	vor.u32 v9, v2;
	v5 =	vand.u32 $0xFFFFE000, v36;
	[tilespmem:$0x3A0] =	vst v1  }
0x35: {  	v52 =	vand.u32 $0xFFFFE000, v47;
	v6 =	vand.u32 $0xFFFFE000, v6;
	v4 =	vor.u32 v4, v5;
	[tilespmem:$0x340] =	vst v2  }
0x36: {  	v57 =	vand.u32 $0xFFFFE000, v55;
	v9 =	vand.u32 $0x1FFF, v37;
	v6 =	vor.u32 v14, v6;
	[tilespmem:$0x3D0] =	vst v4  }
0x37: {  	v62 =	vand.u32 $0xFFFFE000, v60;
	v24 =	vand.u32 $0xFFFFE000, v23;
	v9 =	vor.u32 v9, v16;
	[tilespmem:$0x3B0] =	vst v6  }
0x38: {  	v41 =	vshra.s32 v61, $0x3;
	v13 =	vand.u32 $0xFFFFE000, v29;
	v7 =	vor.u32 v48, v52;
	[tilespmem:$0x270] =	vst v9  }
0x39: {  	v31 =	vld [tilespmem:$0x170];
	v11 =	vand.u32 $0xFFFFE000, v44;
	v5 =	vand.u32 $0x1FFF, v38;
	v8 =	vor.u32 v25, v13;
	[tilespmem:$0x210] =	vst v7  }
0x3a: {  	v34 =	vand.u32 $0x1FFF, v61;
	v14 =	vand.u32 $0xFFFFE000, v54;
	v5 =	vor.u32 v5, v11;
	[tilespmem:$0x310] =	vst v8  }
0x3b: {  	v36 =	vand.u32 $0xFFFFE000, v33;
	v3 =	vand.u32 $0x1FFF, v46;
	v14 =	vor.u32 v50, v14;
	[tilespmem:$0x220] =	vst v5  }
0x3c: {  	v51 =	vld [tilespmem:$0x1C0];
	v37 =	vand.u32 $0x1FFF, v22;
	v0 =	vand.u32 $0x1FFF, v42;
	v3 =	vor.u32 v3, v62;
	[tilespmem:$0x2B0] =	vst v14  }
0x3d: {  	v35 =	vld [tilespmem:$0xE0];
	v10 =	vand.u32 $0xFFFFE000, v58;
	v4 =	vand.u32 $0x1FFF, v43;
	v0 =	vor.u32 v0, v57;
	[tilespmem:$0x250] =	vst v3  }
0x3e: {  	v44 =	vshra.s32 v31, $0x3;
	v38 =	vand.u32 $0x1FFF, v18;
	v4 =	vor.u32 v4, v10;
	[tilespmem:$0x200] =	vst v0  }
0x3f: {  	v42 =	vand.u32 $0xFFFFE000, v41;
	v6 =	vand.u32 $0xFFFFE000, v32;
	v3 =	vor.u32 v27, v24;
	[tilespmem:$0x240] =	vst v4  }
0x40: {  	v11 =	vand.u32 $0xFFFFE000, v30;
	v5 =	vand.u32 $0xFFFFE000, v21;
	v6 =	vor.u32 v38, v6;
	[tilespmem:$0x290] =	vst v3  }
0x41: {  	v40 =	vld [tilespmem:$0x120];
	v10 =	vshra.s32 v26, $0x3;
	v9 =	vor.u32 v63, v11;
	v57 =	vshra.s32 v51, $0x3;
	[tilespmem:$0x2F0] =	vst v6  }
0x42: {  	v46 =	vld [tilespmem:$0x130];
	v60 =	vand.u32 $0x1FFF, v51;
	v5 =	vor.u32 v28, v5;
	v45 =	vshra.s32 v35, $0x3;
	[tilespmem:$0x2C0] =	vst v9  }
0x43: {  	v48 =	vld [tilespmem:$0x160];
	v4 =	vand.u32 $0x1FFF, v31;
	v6 =	vand.u32 $0xFFFFE000, v44;
	v3 =	vor.u32 v34, v42;
	[tilespmem:$0x2A0] =	vst v5  }
0x44: {  	v43 =	vld [tilespmem:$0x150];
	v0 =	vand.u32 $0x1FFF, v35;
	v50 =	vand.u32 $0xFFFFE000, v10;
	v4 =	vor.u32 v4, v6;
	[tilespmem:$0x300] =	vst v3  }
0x45: {  	v59 =	vand.u32 $0xFFFFE000, v57;
	v47 =	vand.u32 $0xFFFFE000, v45;
	v5 =	vor.u32 v37, v36;
	[tilespmem:$0x370] =	vst v4  }
0x46: {  	v49 =	vand.u32 $0x1FFF, v40;
	v1 =	vshra.s32 v40, $0x3;
	v62 =	vor.u32 v60, v59;
	[tilespmem:$0x2D0] =	vst v5  }
0x47: {  	v4 =	vor.u32 v39, v50;
	v0 =	vor.u32 v0, v47;
	v1 =	vand.u32 $0xFFFFE000, v1;
	[tilespmem:$0x3C0] =	vst v62  }
0x48: {  	v53 =	vshra.s32 v46, $0x3;
	v54 =	vshra.s32 v48, $0x3;
	v56 =	vand.u32 $0x1FFF, v48;
	[tilespmem:$0x380] =	vst v4  }
0x49: {  	v52 =	vshra.s32 v43, $0x3;
	v1 =	vor.u32 v49, v1;
	v55 =	vand.u32 $0xFFFFE000, v54;
	[tilespmem:$0x2E0] =	vst v0  }
0x4a: {  	v2 =	vand.u32 $0x1FFF, v43;
	v3 =	vand.u32 $0xFFFFE000, v52;
	[tilespmem:$0x320] =	vst v1;
	v58 =	vor.u32 v56, v55  }
0x4b: {  	v61 =	vand.u32 $0x1FFF, v46;
	v2 =	vor.u32 v2, v3;
	v3 =	vand.u32 $0xFFFFE000, v53;
	[tilespmem:$0x360] =	vst v58  }
0x4c: {  	[tilespmem:$0x350] =	vst v2;
	v63 =	vor.u32 v61, v3  }
0x4d: {  	[tilespmem:$0x330] =	vst v63  }
0x4e: {  	[tilespmem:s6], [sflag:$0x1] =	stream.indirect.gather [hbm4b:s5+s8], $0x80, s9, s8, $0xb8;
	[tilespmem:$0x10400] =	vst v63  }
0x4f: {  	_ = 	snop  }
0x50: {  	[tilespmem:s11], [sflag:$0x1] =	stream.indirect.gather [hbm4b:s5+s8], $0x80, s10, s8, $0xb8;
	[tilespmem:$0x10400] =	vst v63  }
0x51: {  	_ = 	snop  }
0x52: {  	[tilespmem:s13], [sflag:$0x1] =	stream.indirect.gather [hbm4b:s5+s8], $0x80, s12, s8, $0xb8;
	[tilespmem:$0x10400] =	vst v63  }
0x53: {  	_ = 	snop  }
0x54: {  	[tilespmem:s15], [sflag:$0x1] =	stream.indirect.gather [hbm4b:s5+s8], $0x80, s14, s8, $0xb8;
	[tilespmem:$0x10400] =	vst v63  }
0x55: {  	_ =	swait.ge [sflag:s7], $0x4000  }
0x56: {  	[sflag:s7] =	ssyncset.done $0x0  }
0x57: {  	[sflag:s7] =	ssyncadd.s32 $0xFFFFC000  }
0x58: {  	_ =	swait.ge [sflag:s7], $0x4000  }
0x59: {  	[sflag:s7] =	ssyncset.done $0x0  }
0x5a: {  	[sflag:s7] =	ssyncadd.s32 $0xFFFFC000  }
0x5b: {  	_ =	swait.ge [sflag:s7], $0x4000  }
0x5c: {  	[sflag:s7] =	ssyncset.done $0x0  }
0x5d: {  	p1 =	sne.s32 s17, $0x1;
	[sflag:s7] =	ssyncadd.s32 $0xFFFFC000  }
.Ltmp1:
0x5e: {  	_ =	swait.ge [sflag:s7], $0x4000;
	(pc) =	sbr.rel @!p1 .LBB2_3-.Ltmp1, $4  }
0x5f: {  	[sflag:s7] =	ssyncset.done $0x0  }
0x60: {  	[sflag:s7] =	ssyncadd.s32 $0xFFFFC000  }
0x61: {  	[hbm4b:s4+s2] =	stream.linear.scatter [tilespmem:s6], [sflag:$0x2], $0x10000, $0x38;
	[tilespmem:$0x10400] =	vst v63  }
0x62: {  	s17 =	sadd.s32 $0xFFFFFFFF, s17;
	p0 =	por $0x1, $0x1;
	_ =	swait.ge [sflag:s3], $0x10000  }
.LBB2_2:
0x63: {  	p1 =	sne.s32 s17, $0x1;
	s17 =	sadd.s32 $0xFFFFFFFF, s17;
	[sflag:s3] =	ssyncset.done $0x0  }
0x64: {  	[sflag:s3] =	ssyncadd.s32 $0xFFFF0000  }
0x65: {  	[tilespmem:s2], [sflag:$0x2] =	stream.linear.gather [hbm4b:s16+s2], $0x200, $0x38;
	[tilespmem:$0x10400] =	vst v63  }
0x66: {  	_ =	swait.ge [sflag:s3], $0x200  }
0x67: {  	[sflag:s3] =	ssyncset.done $0x0  }
0x68: {  	[sflag:s3] =	ssyncadd.s32 $0xFFFFFE00  }
0x69: {  	v0 =	vld [tilespmem:$0x190]  }
0x6a: {  	v1 =	vld [tilespmem:$0x1A0]  }
0x6b: {  	v2 =	vld [tilespmem:$0x140]  }
0x6c: {  	v3 =	vld [tilespmem:$0x1E0]  }
0x6d: {  	v4 =	vld [tilespmem:$0x1D0]  }
0x6e: {  	v5 =	vshra.s32 v0, $0x3  }
0x6f: {  	v0 =	vand.u32 $0x1FFF, v0;
	v5 =	vand.u32 $0xFFFFE000, v5;
	v6 =	vshra.s32 v1, $0x3;
	v7 =	vld [tilespmem:$0x1F0]  }
0x70: {  	v8 =	vld [tilespmem:$0x80];
	v9 =	vand.u32 $0x1FFF, v2;
	v5 =	vor.u32 v0, v5;
	v0 =	vand.u32 $0xFFFFE000, v6  }
0x71: {  	v1 =	vand.u32 $0x1FFF, v1;
	v2 =	vshra.s32 v2, $0x3;
	v6 =	vld [tilespmem:$0x1B0];
	v10 =	vand.u32 $0x1FFF, v3  }
0x72: {  	v2 =	vand.u32 $0xFFFFE000, v2;
	v1 =	vor.u32 v1, v0;
	v11 =	vld [tilespmem:$0x30];
	v12 =	vshra.s32 v4, $0x3  }
0x73: {  	v3 =	vshra.s32 v3, $0x3;
	v0 =	vor.u32 v9, v2;
	v13 =	vld [tilespmem:$0x70];
	v2 =	vand.u32 $0xFFFFE000, v12  }
0x74: {  	v4 =	vand.u32 $0x1FFF, v4;
	v9 =	vshra.s32 v7, $0x3;
	v7 =	vand.u32 $0x1FFF, v7  }
0x75: {  	v3 =	vand.u32 $0xFFFFE000, v3;
	v2 =	vor.u32 v4, v2;
	v12 =	vld [tilespmem:$0x20];
	v14 =	vshra.s32 v8, $0x3  }
0x76: {  	v8 =	vand.u32 $0x1FFF, v8;
	v4 =	vand.u32 $0xFFFFE000, v14;
	[tilespmem:$0x390] =	vst v5;
	v5 =	vand.u32 $0x1FFF, v6  }
0x77: {  	v6 =	vshra.s32 v6, $0x3;
	v14 =	vld [tilespmem:$0x60];
	v4 =	vor.u32 v8, v4;
	[tilespmem:$0x3D0] =	vst v2;
	v2 =	vand.u32 $0xFFFFE000, v9  }
0x78: {  	v3 =	vor.u32 v10, v3;
	v9 =	vshra.s32 v11, $0x3;
	v6 =	vand.u32 $0xFFFFE000, v6;
	v8 =	vld [tilespmem:$0x10]  }
0x79: {  	v9 =	vand.u32 $0xFFFFE000, v9;
	v10 =	vshra.s32 v13, $0x3;
	v13 =	vand.u32 $0x1FFF, v13;
	v15 =	vld [tilespmem:$0xB0];
	[tilespmem:$0x3E0] =	vst v3  }
0x7a: {  	v11 =	vand.u32 $0x1FFF, v11;
	v2 =	vor.u32 v7, v2;
	v10 =	vand.u32 $0xFFFFE000, v10;
	v3 =	vld [tilespmem:$0x0];
	[tilespmem:$0x280] =	vst v4  }
0x7b: {  	v5 =	vor.u32 v5, v6;
	v4 =	vor.u32 v11, v9;
	v9 =	vor.u32 v13, v10;
	v7 =	vld [tilespmem:$0x40]  }
0x7c: {  	v6 =	vshra.s32 v12, $0x3;
	v10 =	vand.u32 $0x1FFF, v12;
	v11 =	vld [tilespmem:$0x50];
	v12 =	vand.u32 $0x1FFF, v14;
	[tilespmem:$0x3F0] =	vst v2  }
0x7d: {  	v6 =	vand.u32 $0xFFFFE000, v6;
	v2 =	vshra.s32 v8, $0x3;
	[tilespmem:$0x230] =	vst v4;
	v4 =	vshra.s32 v14, $0x3  }
0x7e: {  	v8 =	vand.u32 $0x1FFF, v8;
	v4 =	vand.u32 $0xFFFFE000, v4;
	v13 =	vand.u32 $0x1FFF, v15;
	v14 =	vld [tilespmem:$0xC0];
	[tilespmem:$0x3B0] =	vst v5  }
0x7f: {  	v2 =	vand.u32 $0xFFFFE000, v2;
	v4 =	vor.u32 v12, v4;
	[tilespmem:$0x270] =	vst v9;
	v5 =	vld [tilespmem:$0xA0];
	v9 =	vshra.s32 v15, $0x3  }
0x80: {  	v6 =	vor.u32 v10, v6;
	v12 =	vshra.s32 v3, $0x3;
	v10 =	vld [tilespmem:$0x90];
	v9 =	vand.u32 $0xFFFFE000, v9  }
0x81: {  	v12 =	vand.u32 $0xFFFFE000, v12;
	[tilespmem:$0x220] =	vst v6;
	v6 =	vshra.s32 v7, $0x3;
	v9 =	vor.u32 v13, v9;
	v13 =	vld [tilespmem:$0x110]  }
0x82: {  	v3 =	vand.u32 $0x1FFF, v3;
	v15 =	vshra.s32 v11, $0x3;
	v11 =	vand.u32 $0x1FFF, v11;
	[tilespmem:$0x260] =	vst v4;
	v4 =	vld [tilespmem:$0x100]  }
0x83: {  	v7 =	vand.u32 $0x1FFF, v7;
	v15 =	vand.u32 $0xFFFFE000, v15;
	v16 =	vand.u32 $0x1FFF, v14;
	v17 =	vld [tilespmem:$0xF0]  }
0x84: {  	v6 =	vand.u32 $0xFFFFE000, v6;
	v11 =	vor.u32 v11, v15;
	v15 =	vshra.s32 v5, $0x3;
	v18 =	vld [tilespmem:$0xD0]  }
0x85: {  	v2 =	vor.u32 v8, v2;
	v6 =	vor.u32 v7, v6;
	v7 =	vshra.s32 v10, $0x3;
	[tilespmem:$0x2B0] =	vst v9  }
0x86: {  	[tilespmem:$0x210] =	vst v2;
	v2 =	vand.u32 $0xFFFFE000, v7;
	v7 =	vand.u32 $0xFFFFE000, v15;
	v8 =	vand.u32 $0x1FFF, v13;
	v9 =	vld [tilespmem:$0x180]  }
0x87: {  	v5 =	vand.u32 $0x1FFF, v5;
	v10 =	vand.u32 $0x1FFF, v10;
	[tilespmem:$0x250] =	vst v11;
	v11 =	vshra.s32 v13, $0x3;
	v13 =	vld [tilespmem:$0x170]  }
0x88: {  	v5 =	vor.u32 v5, v7;
	v7 =	vshra.s32 v14, $0x3;
	v14 =	vshra.s32 v17, $0x3;
	v15 =	vld [tilespmem:$0x120]  }
0x89: {  	v3 =	vor.u32 v3, v12;
	v19 =	vand.u32 $0x1FFF, v4;
	[tilespmem:$0x240] =	vst v6;
	v6 =	vshra.s32 v18, $0x3;
	v12 =	vld [tilespmem:$0xE0]  }
0x8a: {  	v2 =	vor.u32 v10, v2;
	[tilespmem:$0x200] =	vst v3;
	v3 =	vand.u32 $0xFFFFE000, v6;
	v6 =	vand.u32 $0xFFFFE000, v14  }
0x8b: {  	v10 =	vand.u32 $0x1FFF, v17;
	[tilespmem:$0x2A0] =	vst v5;
	v5 =	vand.u32 $0x1FFF, v18;
	v14 =	vand.u32 $0x1FFF, v9  }
0x8c: {  	v4 =	vshra.s32 v4, $0x3;
	v6 =	vor.u32 v10, v6;
	v10 =	vand.u32 $0xFFFFE000, v11;
	[tilespmem:$0x3A0] =	vst v1  }
0x8d: {  	v1 =	vand.u32 $0xFFFFE000, v4;
	v4 =	vshra.s32 v9, $0x3;
	[tilespmem:$0x290] =	vst v2;
	v2 =	vor.u32 v8, v10  }
0x8e: {  	v7 =	vand.u32 $0xFFFFE000, v7;
	v9 =	vand.u32 $0x1FFF, v13;
	v8 =	vshra.s32 v12, $0x3;
	[tilespmem:$0x340] =	vst v0;
	v0 =	vld [tilespmem:$0x150]  }
0x8f: {  	v7 =	vor.u32 v16, v7;
	v10 =	vshra.s32 v13, $0x3;
	v8 =	vand.u32 $0xFFFFE000, v8;
	[tilespmem:$0x2F0] =	vst v6;
	v6 =	vld [tilespmem:$0x130]  }
0x90: {  	v11 =	vand.u32 $0x1FFF, v15;
	v10 =	vand.u32 $0xFFFFE000, v10;
	[tilespmem:$0x2C0] =	vst v7;
	v7 =	vand.u32 $0x1FFF, v12  }
0x91: {  	v9 =	vor.u32 v9, v10;
	v7 =	vor.u32 v7, v8;
	[tilespmem:$0x310] =	vst v2;
	v2 =	vshra.s32 v15, $0x3;
	v8 =	vld [tilespmem:$0x160]  }
0x92: {  	v1 =	vor.u32 v19, v1;
	v4 =	vand.u32 $0xFFFFE000, v4;
	v2 =	vand.u32 $0xFFFFE000, v2;
	[tilespmem:$0x370] =	vst v9;
	v9 =	vld [tilespmem:$0x1C0]  }
0x93: {  	v3 =	vor.u32 v5, v3;
	v4 =	vor.u32 v14, v4;
	[tilespmem:$0x300] =	vst v1;
	v1 =	vshra.s32 v0, $0x3  }
0x94: {  	v0 =	vand.u32 $0x1FFF, v0;
	v5 =	vshra.s32 v6, $0x3;
	v1 =	vand.u32 $0xFFFFE000, v1;
	[tilespmem:$0x380] =	vst v4  }
0x95: {  	v4 =	vand.u32 $0x1FFF, v6;
	[tilespmem:$0x2D0] =	vst v3;
	v3 =	vand.u32 $0xFFFFE000, v5;
	v0 =	vor.u32 v0, v1  }
0x96: {  	v1 =	vor.u32 v11, v2;
	v2 =	vor.u32 v4, v3;
	[tilespmem:$0x350] =	vst v0;
	v0 =	vshra.s32 v8, $0x3  }
0x97: {  	[tilespmem:$0x320] =	vst v1;
	v0 =	vand.u32 $0xFFFFE000, v0;
	v1 =	vand.u32 $0x1FFF, v8;
	v3 =	vshra.s32 v9, $0x3  }
0x98: {  	[tilespmem:$0x2E0] =	vst v7;
	v0 =	vor.u32 v1, v0;
	v1 =	vand.u32 $0xFFFFE000, v3;
	v3 =	vand.u32 $0x1FFF, v9  }
0x99: {  	[tilespmem:$0x360] =	vst v0;
	v0 =	vor.u32 v3, v1  }
0x9a: {  	[tilespmem:$0x3C0] =	vst v0  }
0x9b: {  	[tilespmem:$0x330] =	vst v2  }
0x9c: {  	[tilespmem:s6], [sflag:$0x1] =	stream.indirect.gather [hbm4b:s5+s8], $0x80, s9, s8, $0xb8;
	[tilespmem:$0x10400] =	vst v63  }
0x9d: {  	_ = 	snop  }
0x9e: {  	[tilespmem:s11], [sflag:$0x1] =	stream.indirect.gather [hbm4b:s5+s8], $0x80, s10, s8, $0xb8;
	[tilespmem:$0x10400] =	vst v63  }
0x9f: {  	_ = 	snop  }
0xa0: {  	[tilespmem:s13], [sflag:$0x1] =	stream.indirect.gather [hbm4b:s5+s8], $0x80, s12, s8, $0xb8;
	[tilespmem:$0x10400] =	vst v63  }
0xa1: {  	_ = 	snop  }
0xa2: {  	[tilespmem:s15], [sflag:$0x1] =	stream.indirect.gather [hbm4b:s5+s8], $0x80, s14, s8, $0xb8;
	[tilespmem:$0x10400] =	vst v63  }
0xa3: {  	_ =	swait.ge [sflag:s7], $0x4000  }
0xa4: {  	[sflag:s7] =	ssyncset.done $0x0  }
0xa5: {  	[sflag:s7] =	ssyncadd.s32 $0xFFFFC000  }
0xa6: {  	_ =	swait.ge [sflag:s7], $0x4000  }
0xa7: {  	[sflag:s7] =	ssyncset.done $0x0  }
0xa8: {  	[sflag:s7] =	ssyncadd.s32 $0xFFFFC000  }
0xa9: {  	_ =	swait.ge [sflag:s7], $0x4000  }
0xaa: {  	[sflag:s7] =	ssyncset.done $0x0  }
0xab: {  	[sflag:s7] =	ssyncadd.s32 $0xFFFFC000  }
.Ltmp2:
0xac: {  	_ =	swait.ge [sflag:s7], $0x4000;
	(pc) =	sbr.rel @p1 .LBB2_2-.Ltmp2, $4  }
0xad: {  	[sflag:s7] =	ssyncset.done $0x0  }
0xae: {  	[sflag:s7] =	ssyncadd.s32 $0xFFFFC000  }
0xaf: {  	[hbm4b:s4+s2] =	stream.linear.scatter [tilespmem:s6], [sflag:$0x2], $0x10000, $0x38;
	[tilespmem:$0x10400] =	vst v63  }
0xb0: {  	_ =	swait.ge [sflag:s3], $0x10000  }
.LBB2_3:
0xb1: {  	[sflag:s3] =	ssyncset.done @p0 $0x0  }
0xb2: {  	[sflag:s3] =	ssyncadd.s32 @p0 $0xFFFF0000  }
0xb3: {  	[tilespmem:s2], [sflag:$0x2] =	stream.linear.gather [hbm4b:s16+s2], $0x200, $0x38;
	[tilespmem:$0x10400] =	vst v63  }
0xb4: {  	_ =	swait.ge [sflag:s3], $0x200  }
0xb5: {  	[sflag:s3] =	ssyncset.done $0x0  }
0xb6: {  	[sflag:s3] =	ssyncadd.s32 $0xFFFFFE00  }
0xb7: {  	v0 =	vld [tilespmem:$0x190]  }
0xb8: {  	v1 =	vld [tilespmem:$0x1A0]  }
0xb9: {  	v2 =	vld [tilespmem:$0x140]  }
0xba: {  	v3 =	vld [tilespmem:$0x1E0]  }
0xbb: {  	v4 =	vld [tilespmem:$0x1D0]  }
0xbc: {  	v7 =	vld [tilespmem:$0x1F0]  }
0xbd: {  	v8 =	vld [tilespmem:$0x80]  }
0xbe: {  	v35 =	vld [tilespmem:$0x1B0]  }
0xbf: {  	v11 =	vld [tilespmem:$0x30]  }
0xc0: {  	v37 =	vld [tilespmem:$0x70]  }
0xc1: {  	v38 =	vld [tilespmem:$0x20]  }
0xc2: {  	v15 =	vld [tilespmem:$0x60]  }
0xc3: {  	v39 =	vld [tilespmem:$0x10]  }
0xc4: {  	v17 =	vld [tilespmem:$0xB0]  }
0xc5: {  	v42 =	vld [tilespmem:$0x0];
	v5 =	vshra.s32 v0, $0x3  }
0xc6: {  	v43 =	vld [tilespmem:$0x40];
	v0 =	vand.u32 $0x1FFF, v0;
	v6 =	vshra.s32 v1, $0x3;
	v9 =	vand.u32 $0x1FFF, v2  }
0xc7: {  	v46 =	vld [tilespmem:$0x50];
	v2 =	vshra.s32 v2, $0x3;
	v1 =	vand.u32 $0x1FFF, v1;
	v10 =	vand.u32 $0x1FFF, v3  }
0xc8: {  	v51 =	vld [tilespmem:$0xC0];
	v36 =	vshra.s32 v4, $0x3;
	v3 =	vshra.s32 v3, $0x3;
	v4 =	vand.u32 $0x1FFF, v4  }
0xc9: {  	v53 =	vld [tilespmem:$0xA0];
	v12 =	vshra.s32 v7, $0x3;
	v7 =	vand.u32 $0x1FFF, v7;
	v13 =	vshra.s32 v8, $0x3  }
0xca: {  	v56 =	vld [tilespmem:$0x90];
	v8 =	vand.u32 $0x1FFF, v8;
	v14 =	vand.u32 $0x1FFF, v35;
	v16 =	vshra.s32 v11, $0x3  }
0xcb: {  	v59 =	vld [tilespmem:$0x110];
	v41 =	vshra.s32 v37, $0x3;
	v11 =	vand.u32 $0x1FFF, v11;
	v44 =	vshra.s32 v38, $0x3  }
0xcc: {  	v45 =	vand.u32 $0x1FFF, v15;
	v47 =	vshra.s32 v39, $0x3;
	v15 =	vshra.s32 v15, $0x3  }
0xcd: {  	v48 =	vand.u32 $0x1FFF, v39;
	v50 =	vand.u32 $0x1FFF, v17;
	v54 =	vshra.s32 v17, $0x3  }
0xce: {  	v55 =	vshra.s32 v42, $0x3;
	v58 =	vshra.s32 v43, $0x3;
	v60 =	vshra.s32 v46, $0x3  }
0xcf: {  	v18 =	vld [tilespmem:$0xF0];
	v63 =	vand.u32 $0x1FFF, v51;
	v21 =	vshra.s32 v53, $0x3;
	v23 =	vshra.s32 v56, $0x3  }
0xd0: {  	v22 =	vld [tilespmem:$0xD0];
	v25 =	vand.u32 $0x1FFF, v59;
	v27 =	vand.u32 $0x1FFF, v56;
	v5 =	vand.u32 $0xFFFFE000, v5  }
0xd1: {  	v26 =	vld [tilespmem:$0x180];
	v28 =	vand.u32 $0x1FFF, v53;
	v3 =	vand.u32 $0xFFFFE000, v3;
	v0 =	vor.u32 v0, v5  }
0xd2: {  	v29 =	vshra.s32 v59, $0x3;
	v13 =	vand.u32 $0xFFFFE000, v13;
	v3 =	vor.u32 v10, v3;
	[tilespmem:$0x390] =	vst v0  }
0xd3: {  	v30 =	vshra.s32 v51, $0x3;
	v12 =	vand.u32 $0xFFFFE000, v12;
	v8 =	vor.u32 v8, v13;
	[tilespmem:$0x3E0] =	vst v3  }
0xd4: {  	v32 =	vshra.s32 v18, $0x3;
	v40 =	vand.u32 $0xFFFFE000, v16;
	v7 =	vor.u32 v7, v12;
	[tilespmem:$0x280] =	vst v8  }
0xd5: {  	v33 =	vshra.s32 v22, $0x3;
	v49 =	vand.u32 $0xFFFFE000, v15;
	v10 =	vor.u32 v11, v40;
	[tilespmem:$0x3F0] =	vst v7  }
0xd6: {  	v39 =	vand.u32 $0x1FFF, v26;
	v34 =	vand.u32 $0xFFFFE000, v6;
	v12 =	vor.u32 v45, v49;
	[tilespmem:$0x230] =	vst v10  }
0xd7: {  	v61 =	vld [tilespmem:$0x100];
	v2 =	vand.u32 $0xFFFFE000, v2;
	v6 =	vshra.s32 v35, $0x3;
	v1 =	vor.u32 v1, v34;
	[tilespmem:$0x260] =	vst v12  }
0xd8: {  	v16 =	vand.u32 $0xFFFFE000, v41;
	v2 =	vor.u32 v9, v2;
	v5 =	vand.u32 $0xFFFFE000, v36;
	[tilespmem:$0x3A0] =	vst v1  }
0xd9: {  	v52 =	vand.u32 $0xFFFFE000, v47;
	v6 =	vand.u32 $0xFFFFE000, v6;
	v4 =	vor.u32 v4, v5;
	[tilespmem:$0x340] =	vst v2  }
0xda: {  	v57 =	vand.u32 $0xFFFFE000, v55;
	v9 =	vand.u32 $0x1FFF, v37;
	v6 =	vor.u32 v14, v6;
	[tilespmem:$0x3D0] =	vst v4  }
0xdb: {  	v62 =	vand.u32 $0xFFFFE000, v60;
	v24 =	vand.u32 $0xFFFFE000, v23;
	v9 =	vor.u32 v9, v16;
	[tilespmem:$0x3B0] =	vst v6  }
0xdc: {  	v41 =	vshra.s32 v61, $0x3;
	v13 =	vand.u32 $0xFFFFE000, v29;
	v7 =	vor.u32 v48, v52;
	[tilespmem:$0x270] =	vst v9  }
0xdd: {  	v31 =	vld [tilespmem:$0x170];
	v11 =	vand.u32 $0xFFFFE000, v44;
	v5 =	vand.u32 $0x1FFF, v38;
	v8 =	vor.u32 v25, v13;
	[tilespmem:$0x210] =	vst v7  }
0xde: {  	v34 =	vand.u32 $0x1FFF, v61;
	v14 =	vand.u32 $0xFFFFE000, v54;
	v5 =	vor.u32 v5, v11;
	[tilespmem:$0x310] =	vst v8  }
0xdf: {  	v36 =	vand.u32 $0xFFFFE000, v33;
	v3 =	vand.u32 $0x1FFF, v46;
	v14 =	vor.u32 v50, v14;
	[tilespmem:$0x220] =	vst v5  }
0xe0: {  	v51 =	vld [tilespmem:$0x1C0];
	v37 =	vand.u32 $0x1FFF, v22;
	v0 =	vand.u32 $0x1FFF, v42;
	v3 =	vor.u32 v3, v62;
	[tilespmem:$0x2B0] =	vst v14  }
0xe1: {  	v35 =	vld [tilespmem:$0xE0];
	v10 =	vand.u32 $0xFFFFE000, v58;
	v4 =	vand.u32 $0x1FFF, v43;
	v0 =	vor.u32 v0, v57;
	[tilespmem:$0x250] =	vst v3  }
0xe2: {  	v44 =	vshra.s32 v31, $0x3;
	v38 =	vand.u32 $0x1FFF, v18;
	v4 =	vor.u32 v4, v10;
	[tilespmem:$0x200] =	vst v0  }
0xe3: {  	v42 =	vand.u32 $0xFFFFE000, v41;
	v6 =	vand.u32 $0xFFFFE000, v32;
	v3 =	vor.u32 v27, v24;
	[tilespmem:$0x240] =	vst v4  }
0xe4: {  	v11 =	vand.u32 $0xFFFFE000, v30;
	v5 =	vand.u32 $0xFFFFE000, v21;
	v6 =	vor.u32 v38, v6;
	[tilespmem:$0x290] =	vst v3  }
0xe5: {  	v40 =	vld [tilespmem:$0x120];
	v10 =	vshra.s32 v26, $0x3;
	v9 =	vor.u32 v63, v11;
	v57 =	vshra.s32 v51, $0x3;
	[tilespmem:$0x2F0] =	vst v6  }
0xe6: {  	v46 =	vld [tilespmem:$0x130];
	v60 =	vand.u32 $0x1FFF, v51;
	v5 =	vor.u32 v28, v5;
	v45 =	vshra.s32 v35, $0x3;
	[tilespmem:$0x2C0] =	vst v9  }
0xe7: {  	v48 =	vld [tilespmem:$0x160];
	v4 =	vand.u32 $0x1FFF, v31;
	v6 =	vand.u32 $0xFFFFE000, v44;
	v3 =	vor.u32 v34, v42;
	[tilespmem:$0x2A0] =	vst v5  }
0xe8: {  	v43 =	vld [tilespmem:$0x150];
	v0 =	vand.u32 $0x1FFF, v35;
	v50 =	vand.u32 $0xFFFFE000, v10;
	v4 =	vor.u32 v4, v6;
	[tilespmem:$0x300] =	vst v3  }
0xe9: {  	v59 =	vand.u32 $0xFFFFE000, v57;
	v47 =	vand.u32 $0xFFFFE000, v45;
	v5 =	vor.u32 v37, v36;
	[tilespmem:$0x370] =	vst v4  }
0xea: {  	v49 =	vand.u32 $0x1FFF, v40;
	v1 =	vshra.s32 v40, $0x3;
	v62 =	vor.u32 v60, v59;
	[tilespmem:$0x2D0] =	vst v5  }
0xeb: {  	v4 =	vor.u32 v39, v50;
	v0 =	vor.u32 v0, v47;
	v1 =	vand.u32 $0xFFFFE000, v1;
	[tilespmem:$0x3C0] =	vst v62  }
0xec: {  	v53 =	vshra.s32 v46, $0x3;
	v54 =	vshra.s32 v48, $0x3;
	v56 =	vand.u32 $0x1FFF, v48;
	[tilespmem:$0x380] =	vst v4  }
0xed: {  	v52 =	vshra.s32 v43, $0x3;
	v1 =	vor.u32 v49, v1;
	v55 =	vand.u32 $0xFFFFE000, v54;
	[tilespmem:$0x2E0] =	vst v0  }
0xee: {  	v2 =	vand.u32 $0x1FFF, v43;
	v3 =	vand.u32 $0xFFFFE000, v52;
	[tilespmem:$0x320] =	vst v1;
	v58 =	vor.u32 v56, v55  }
0xef: {  	v61 =	vand.u32 $0x1FFF, v46;
	v2 =	vor.u32 v2, v3;
	v3 =	vand.u32 $0xFFFFE000, v53;
	[tilespmem:$0x360] =	vst v58  }
0xf0: {  	[tilespmem:$0x350] =	vst v2;
	v63 =	vor.u32 v61, v3  }
0xf1: {  	[tilespmem:$0x330] =	vst v63  }
0xf2: {  	[tilespmem:s6], [sflag:$0x1] =	stream.indirect.gather [hbm4b:s5+s8], $0x80, s9, s8, $0xb8;
	[tilespmem:$0x10400] =	vst v63  }
0xf3: {  	_ = 	snop  }
0xf4: {  	[tilespmem:s11], [sflag:$0x1] =	stream.indirect.gather [hbm4b:s5+s8], $0x80, s10, s8, $0xb8;
	[tilespmem:$0x10400] =	vst v63  }
0xf5: {  	_ = 	snop  }
0xf6: {  	[tilespmem:s13], [sflag:$0x1] =	stream.indirect.gather [hbm4b:s5+s8], $0x80, s12, s8, $0xb8;
	[tilespmem:$0x10400] =	vst v63  }
0xf7: {  	_ = 	snop  }
0xf8: {  	[tilespmem:s15], [sflag:$0x1] =	stream.indirect.gather [hbm4b:s5+s8], $0x80, s14, s8, $0xb8;
	[tilespmem:$0x10400] =	vst v63  }
0xf9: {  	_ =	swait.ge [sflag:s7], $0x4000  }
0xfa: {  	[sflag:s7] =	ssyncset.done $0x0  }
0xfb: {  	[sflag:s7] =	ssyncadd.s32 $0xFFFFC000  }
0xfc: {  	_ =	swait.ge [sflag:s7], $0x4000  }
0xfd: {  	[sflag:s7] =	ssyncset.done $0x0  }
0xfe: {  	[sflag:s7] =	ssyncadd.s32 $0xFFFFC000  }
0xff: {  	_ =	swait.ge [sflag:s7], $0x4000  }
0x100: {  	[sflag:s7] =	ssyncset.done $0x0  }
0x101: {  	[sflag:s7] =	ssyncadd.s32 $0xFFFFC000  }
0x102: {  	_ =	swait.ge [sflag:s7], $0x4000  }
0x103: {  	[sflag:s7] =	ssyncset.done $0x0  }
0x104: {  	[sflag:s7] =	ssyncadd.s32 $0xFFFFC000  }
0x105: {  	[hbm4b:s4+s2] =	stream.linear.scatter [tilespmem:s6], [sflag:$0x2], $0x10000, $0x38;
	[tilespmem:$0x10400] =	vst v63  }
0x106: {  	_ =	swait.ge [sflag:s3], $0x10000  }
0x107: {  	[sflag:s3] =	ssyncset.done $0x0  }
0x108: {  	[sflag:s3] =	ssyncadd.s32 $0xFFFF0000  }
0x109: {  	_ =	sfence.sel $0x180000  }
0x10a: {  	[bflag:$0x0] =	sbarrier.arrive $0xFFFF  }
0x10b: {  	p0 =	sne.s32 s1, $0x0;
	_ =	strace $0x90000047  }
0x10c: {  	s0 =	sadd.s32 @!p0 $0x100000, s0;
	[bflag:$0x2] =	sbarrier.arrive $0xFFFF  }
0x10d: {  	[sflag:s0] =	ssyncadd.tile.s32 @!p0 $0x1;
	_ =	shalt  }
.Lfunc_end2:
_tile_overlayer_lowered:
.L_overlay_start_2:
0x10e: {  	(tag) =	ssettag $0x2  }
0x10f: {  	s0 =	rddreg [dreg:$0x0];
	s2 =	stileid.u32  }
0x110: {  	s1 =	rddreg [dreg:$0x1];
	p0 =	sne.s32 s2, $0x0  }
0x111: {  	s3 =	rddreg [dreg:$0x2];
	[bflag:$0x3] =	sbarrier.arrive $0xFFFF;
	s2 =	simm.s32 @!p0 $0x1C02  }
0x112: {  	[timem:s3], [sflag:s2] =	dma.local @!p0 [hbm:s0], s1  }
0x113: {  	s0 =	simm.s32 @!p0 $0x2  }
0x114: {  	_ =	swait.ge @!p0 [sflag:s0], s1  }
0x115: {  	s1 =	ssub.s32 @!p0 $0x0, s1;
	[sflag:s0] =	ssyncset.done @!p0 $0x0  }
0x116: {  	[sflag:s0] =	ssyncadd.s32 @!p0 s1  }
0x117: {  	[bflag:$0x3] =	sbarrier.arrive $0xFFFF  }
0x118: {  	_ =	shalt  }

</sc_bundles>
